<compile_context>
chip_gen: v7x
topology: tpu7x:2x2x1
jax: 0.10.2.dev20260603
libtpu: 0.0.44.dev20260713+nightly
codegen_flags: <defaults>
</compile_context>

<pallas_src>
import functools

import jax
import jax.numpy as jnp
from jax import lax
from jax.experimental import pallas as pl
from jax.experimental.pallas import tpu as pltpu
from jax.experimental.pallas import tpu_sc as plsc

B, S, D = 4, 2048, 1024
BLOCK_ROWS = 2048

NC, NS, L = 2, 16, 16
NW = NC * NS
RW = S // NW
CHUNK = 16
QPB = RW // CHUNK


def _add_body(x_ref, e_ref, o_ref):
    o_ref[...] = x_ref[...] + e_ref[...]


def _tc_part(x, E, b0):
    nb = B - b0
    grid = (S // BLOCK_ROWS, nb)
    return pl.pallas_call(
        _add_body,
        grid=grid,
        in_specs=[
            pl.BlockSpec((1, BLOCK_ROWS, D), lambda i, b: (b + b0, i, 0)),
            pl.BlockSpec((BLOCK_ROWS, D), lambda i, b: (i, 0)),
        ],
        out_specs=pl.BlockSpec((1, BLOCK_ROWS, D), lambda i, b: (b, i, 0)),
        out_shape=jax.ShapeDtypeStruct((nb, S, D), x.dtype),
    )(x, E)


@functools.cache
def _build_sc_part(nb):
    mesh = plsc.VectorSubcoreMesh(core_axis_name="c", subcore_axis_name="s")
    nchunk = nb * QPB

    @functools.partial(
        pl.kernel,
        mesh=mesh,
        out_type=jax.ShapeDtypeStruct((nb, S, D), jnp.float32),
        scratch_types=[
            pltpu.VMEM((RW, D), jnp.float32),
            pltpu.VMEM((CHUNK, D), jnp.float32),
            pltpu.VMEM((CHUNK, D), jnp.float32),
            pltpu.VMEM((CHUNK, D), jnp.float32),
            pltpu.SemaphoreType.DMA,
            pltpu.SemaphoreType.DMA,
            pltpu.SemaphoreType.DMA,
            pltpu.SemaphoreType.DMA,
            pltpu.SemaphoreType.DMA,
            pltpu.SemaphoreType.DMA,
            pltpu.SemaphoreType.DMA,
        ],
    )
    def sc_add(x_hbm, e_hbm, o_hbm, ebuf, xb0, xb1, xb2,
               esem, is0, is1, is2, os0, os1, os2):
        wid = lax.axis_index("s") * NC + lax.axis_index("c")
        e_base = wid * RW
        xbufs = (xb0, xb1, xb2)
        isems = (is0, is1, is2)
        osems = (os0, os1, os2)

        def src(c):
            b, q = divmod(c, QPB)
            return x_hbm.at[b, pl.ds(e_base + q * CHUNK, CHUNK)]

        def dst(c):
            b, q = divmod(c, QPB)
            return o_hbm.at[b, pl.ds(e_base + q * CHUNK, CHUNK)]

        e_src = e_hbm.at[pl.ds(e_base, RW)]
        pltpu.async_copy(e_src, ebuf, esem)
        pltpu.async_copy(src(0), xbufs[0], isems[0])
        pltpu.make_async_copy(e_src, ebuf, esem).wait()

        for c in range(nchunk):
            k = c % 3
            xb = xbufs[k]
            if c >= 2:
                kk = (c - 2) % 3
                pltpu.make_async_copy(xbufs[kk], dst(c - 2), osems[kk]).wait()
            if c + 1 < nchunk:
                kn = (c + 1) % 3
                pltpu.async_copy(src(c + 1), xbufs[kn], isems[kn])
            pltpu.make_async_copy(src(c), xb, isems[k]).wait()

            qbase = (c % QPB) * CHUNK
            UNROLL = 8

            @plsc.parallel_loop(0, CHUNK * (D // (L * UNROLL)))
            def _(j):
                r = j // (D // (L * UNROLL))
                cb = (j % (D // (L * UNROLL))) * (L * UNROLL)
                for u in range(UNROLL):
                    sl = pl.ds(cb + u * L, L)
                    plsc.addupdate(xb.at[r, sl], ebuf[qbase + r, sl])

            pltpu.async_copy(xb, dst(c), osems[k])

        for c in range(max(nchunk - 2, 0), nchunk):
            k = c % 3
            pltpu.make_async_copy(xbufs[k], dst(c), osems[k]).wait()

    return sc_add


NB_SC = 1


def kernel(x, E):
    sc_out = _build_sc_part(NB_SC)(x, E)
    tc_out = _tc_part(x, E, NB_SC)
    return jnp.concatenate([sc_out, tc_out], axis=0)

# --- scband reference (transcript-rebuilt; emitter-appended) ---
"""Pipeline reference for scband-positional-embedding-78494822301927 (READ-ONLY COPY).

The authoritative reference and input builder live on the scoring server;
editing this copy changes nothing except your own understanding.
"""

import jax, jax.numpy as jnp
import numpy as np

BLOCK_SIZE = 2048
D_MODEL = 1024

def setup_inputs(seed: int = 0) -> dict:
    key = jax.random.key(seed)
    k1, k2 = jax.random.split(key)
    x = jax.random.normal(k1, (4, BLOCK_SIZE, D_MODEL), dtype=jnp.float32)
    E = jax.random.normal(k2, (BLOCK_SIZE, D_MODEL), dtype=jnp.float32) * 0.02
    return {"x": x, "E": E}

def reference(x, E):
    # PositionalEmbedding.forward: x + E(arange(block_size))
    pos = jnp.arange(BLOCK_SIZE)
    pe = jnp.take(E, pos, axis=0)  # [block_size, d_model]
    return x + pe  # broadcast over batch

if __name__ == "__main__":
    import jax
    _d = setup_inputs()
    print(jax.jit(kernel)(*tuple(_d.values())))

</pallas_src>

<mosaic_0001>
#map = affine_map<(d0, d1) -> (0, 0, 0)>
#map1 = affine_map<(d0, d1) -> (0, 0)>
module attributes {stable_mosaic.version = 14 : i64} {
  func.func @sc_add(%arg0: i32, %arg1: i32, %arg2: memref<4x2048x1024xf32, #tpu.memory_space<hbm>>, %arg3: memref<2048x1024xf32, #tpu.memory_space<hbm>>, %arg4: memref<1x2048x1024xf32, #tpu.memory_space<hbm>>, %arg5: memref<64x1024xf32, #tpu.memory_space<vmem>>, %arg6: memref<16x1024xf32, #tpu.memory_space<vmem>>, %arg7: memref<16x1024xf32, #tpu.memory_space<vmem>>, %arg8: memref<16x1024xf32, #tpu.memory_space<vmem>>, %arg9: memref<!tpu.dma_semaphore, #tpu.memory_space<semaphore_mem>>, %arg10: memref<!tpu.dma_semaphore, #tpu.memory_space<semaphore_mem>>, %arg11: memref<!tpu.dma_semaphore, #tpu.memory_space<semaphore_mem>>, %arg12: memref<!tpu.dma_semaphore, #tpu.memory_space<semaphore_mem>>, %arg13: memref<!tpu.dma_semaphore, #tpu.memory_space<semaphore_mem>>, %arg14: memref<!tpu.dma_semaphore, #tpu.memory_space<semaphore_mem>>, %arg15: memref<!tpu.dma_semaphore, #tpu.memory_space<semaphore_mem>>) attributes {dimension_semantics = [#tpu.dimension_semantics<core_parallel>, #tpu.dimension_semantics<subcore_parallel>], iteration_bounds = array<i64: 2, 16>, scalar_prefetch = 0 : i64, scratch_operands = 11 : i64, tpu.core_type = #tpu.core_type<sc_vector_subcore>, window_params = [{transform_indices = #map}, {transform_indices = #map1}, {transform_indices = #map}]} {
    %mul3A = arith.constant 2 : i32
    %mul3A_0 = arith.muli %arg1, %mul3A : i32
    %add3A = arith.addi %mul3A_0, %arg0 : i32
    %mul3A_1 = arith.constant 64 : i32
    %mul3A_2 = arith.muli %add3A, %mul3A_1 : i32
    %dma_start3A = arith.constant 0 : i32
    %dma_start3A_3 = tpu.memref_slice %arg3[%mul3A_2, %dma_start3A] : memref<2048x1024xf32, #tpu.memory_space<hbm>> -> memref<64x1024xf32, #tpu.memory_space<hbm>>
    %dma_start3A_4 = arith.constant 0 : i32
    %dma_start3A_5 = tpu.memref_slice %arg3[%mul3A_2, %dma_start3A_4] : memref<2048x1024xf32, #tpu.memory_space<hbm>> -> memref<64x1024xf32, #tpu.memory_space<hbm>>
    tpu.enqueue_dma source(%dma_start3A_5 : memref<64x1024xf32, #tpu.memory_space<hbm>>) target(%arg5 : memref<64x1024xf32, #tpu.memory_space<vmem>>) target_semaphore(%arg9 : memref<!tpu.dma_semaphore, #tpu.memory_space<semaphore_mem>>)
    %add3A_6 = arith.constant 0 : i32
    %add3A_7 = arith.addi %mul3A_2, %add3A_6 : i32
    %dma_start3A_8 = arith.constant 0 : i32
    %dma_start3A_9 = arith.constant 0 : i32
    %dma_start3A_10 = tpu.memref_slice %arg2[%dma_start3A_8, %add3A_7, %dma_start3A_9] : memref<4x2048x1024xf32, #tpu.memory_space<hbm>> -> memref<1x16x1024xf32, #tpu.memory_space<hbm>>
    %dma_start3A_11 = tpu.memref_squeeze %dma_start3A_10 : memref<1x16x1024xf32, #tpu.memory_space<hbm>> -> memref<16x1024xf32, #tpu.memory_space<hbm>>
    %dma_start3A_12 = arith.constant 0 : i32
    %dma_start3A_13 = tpu.memref_slice %arg2[%dma_start3A_8, %add3A_7, %dma_start3A_12] : memref<4x2048x1024xf32, #tpu.memory_space<hbm>> -> memref<1x16x1024xf32, #tpu.memory_space<hbm>>
    %dma_start3A_14 = tpu.memref_squeeze %dma_start3A_13 : memref<1x16x1024xf32, #tpu.memory_space<hbm>> -> memref<16x1024xf32, #tpu.memory_space<hbm>>
    tpu.enqueue_dma source(%dma_start3A_14 : memref<16x1024xf32, #tpu.memory_space<hbm>>) target(%arg6 : memref<16x1024xf32, #tpu.memory_space<vmem>>) target_semaphore(%arg10 : memref<!tpu.dma_semaphore, #tpu.memory_space<semaphore_mem>>)
    %dma_wait3A = arith.constant 0 : i32
    %dma_wait3A_15 = tpu.memref_slice %arg3[%mul3A_2, %dma_wait3A] : memref<2048x1024xf32, #tpu.memory_space<hbm>> -> memref<64x1024xf32, #tpu.memory_space<hbm>>
    %dma_wait3A_16 = arith.constant 0 : i32
    %dma_wait3A_17 = tpu.memref_slice %arg3[%mul3A_2, %dma_wait3A_16] : memref<2048x1024xf32, #tpu.memory_space<hbm>> -> memref<64x1024xf32, #tpu.memory_space<hbm>>
    tpu.wait_dma2 semaphore(%arg9 : memref<!tpu.dma_semaphore, #tpu.memory_space<semaphore_mem>>) src(%dma_wait3A_17 : memref<64x1024xf32, #tpu.memory_space<hbm>>) dst(%arg5 : memref<64x1024xf32, #tpu.memory_space<vmem>>)
    %add3A_18 = arith.constant 16 : i32
    %add3A_19 = arith.addi %mul3A_2, %add3A_18 : i32
    %dma_start3A_20 = arith.constant 0 : i32
    %dma_start3A_21 = arith.constant 0 : i32
    %dma_start3A_22 = tpu.memref_slice %arg2[%dma_start3A_20, %add3A_19, %dma_start3A_21] : memref<4x2048x1024xf32, #tpu.memory_space<hbm>> -> memref<1x16x1024xf32, #tpu.memory_space<hbm>>
    %dma_start3A_23 = tpu.memref_squeeze %dma_start3A_22 : memref<1x16x1024xf32, #tpu.memory_space<hbm>> -> memref<16x1024xf32, #tpu.memory_space<hbm>>
    %dma_start3A_24 = arith.constant 0 : i32
    %dma_start3A_25 = tpu.memref_slice %arg2[%dma_start3A_20, %add3A_19, %dma_start3A_24] : memref<4x2048x1024xf32, #tpu.memory_space<hbm>> -> memref<1x16x1024xf32, #tpu.memory_space<hbm>>
    %dma_start3A_26 = tpu.memref_squeeze %dma_start3A_25 : memref<1x16x1024xf32, #tpu.memory_space<hbm>> -> memref<16x1024xf32, #tpu.memory_space<hbm>>
    tpu.enqueue_dma source(%dma_start3A_26 : memref<16x1024xf32, #tpu.memory_space<hbm>>) target(%arg7 : memref<16x1024xf32, #tpu.memory_space<vmem>>) target_semaphore(%arg11 : memref<!tpu.dma_semaphore, #tpu.memory_space<semaphore_mem>>)
    %add3A_27 = arith.constant 0 : i32
    %add3A_28 = arith.addi %mul3A_2, %add3A_27 : i32
    %dma_wait3A_29 = arith.constant 0 : i32
    %dma_wait3A_30 = arith.constant 0 : i32
    %dma_wait3A_31 = tpu.memref_slice %arg2[%dma_wait3A_29, %add3A_28, %dma_wait3A_30] : memref<4x2048x1024xf32, #tpu.memory_space<hbm>> -> memref<1x16x1024xf32, #tpu.memory_space<hbm>>
    %dma_wait3A_32 = tpu.memref_squeeze %dma_wait3A_31 : memref<1x16x1024xf32, #tpu.memory_space<hbm>> -> memref<16x1024xf32, #tpu.memory_space<hbm>>
    %dma_wait3A_33 = arith.constant 0 : i32
    %dma_wait3A_34 = tpu.memref_slice %arg2[%dma_wait3A_29, %add3A_28, %dma_wait3A_33] : memref<4x2048x1024xf32, #tpu.memory_space<hbm>> -> memref<1x16x1024xf32, #tpu.memory_space<hbm>>
    %dma_wait3A_35 = tpu.memref_squeeze %dma_wait3A_34 : memref<1x16x1024xf32, #tpu.memory_space<hbm>> -> memref<16x1024xf32, #tpu.memory_space<hbm>>
    tpu.wait_dma2 semaphore(%arg10 : memref<!tpu.dma_semaphore, #tpu.memory_space<semaphore_mem>>) src(%dma_wait3A_35 : memref<16x1024xf32, #tpu.memory_space<hbm>>) dst(%arg6 : memref<16x1024xf32, #tpu.memory_space<vmem>>)
    %parallel_loop3A = arith.constant 0 : i32
    %parallel_loop3A_36 = arith.constant 128 : i32
    %parallel_loop3A_37 = arith.constant 1 : i32
    scf.for %parallel_loop3A_164 = %parallel_loop3A to %parallel_loop3A_36 step %parallel_loop3A_37  : i32 {
      %parallel_loop3A_165 = arith.constant 8 : i32
      %parallel_loop3A_166 = arith.divsi %parallel_loop3A_164, %parallel_loop3A_165 : i32
      %parallel_loop3A_167 = arith.constant 0 : i32
      %parallel_loop3A_168 = arith.cmpi sgt, %parallel_loop3A_164, %parallel_loop3A_167 : i32
      %parallel_loop3A_169 = arith.extui %parallel_loop3A_168 : i1 to i32
      %parallel_loop3A_170 = arith.constant 0 : i32
      %parallel_loop3A_171 = arith.cmpi slt, %parallel_loop3A_164, %parallel_loop3A_170 : i32
      %parallel_loop3A_172 = arith.extui %parallel_loop3A_171 : i1 to i32
      %parallel_loop3A_173 = arith.subi %parallel_loop3A_169, %parallel_loop3A_172 : i32
      %parallel_loop3A_174 = arith.constant 0 : i32
      %parallel_loop3A_175 = arith.cmpi sgt, %parallel_loop3A_165, %parallel_loop3A_174 : i32
      %parallel_loop3A_176 = arith.extui %parallel_loop3A_175 : i1 to i32
      %parallel_loop3A_177 = arith.constant 0 : i32
      %parallel_loop3A_178 = arith.cmpi slt, %parallel_loop3A_165, %parallel_loop3A_177 : i32
      %parallel_loop3A_179 = arith.extui %parallel_loop3A_178 : i1 to i32
      %parallel_loop3A_180 = arith.subi %parallel_loop3A_176, %parallel_loop3A_179 : i32
      %parallel_loop3A_181 = arith.cmpi ne, %parallel_loop3A_173, %parallel_loop3A_180 : i32
      %parallel_loop3A_182 = arith.remsi %parallel_loop3A_164, %parallel_loop3A_165 : i32
      %parallel_loop3A_183 = arith.constant 0 : i32
      %parallel_loop3A_184 = arith.cmpi ne, %parallel_loop3A_182, %parallel_loop3A_183 : i32
      %parallel_loop3A_185 = arith.andi %parallel_loop3A_181, %parallel_loop3A_184 : i1
      %parallel_loop3A_186 = arith.constant 1 : i32
      %parallel_loop3A_187 = arith.subi %parallel_loop3A_166, %parallel_loop3A_186 : i32
      %parallel_loop3A_188 = arith.select %parallel_loop3A_185, %parallel_loop3A_187, %parallel_loop3A_166 : i32
      %parallel_loop3A_189 = arith.constant 8 : i32
      %parallel_loop3A_190 = arith.constant 0 : i32
      %parallel_loop3A_191 = arith.cmpi eq, %parallel_loop3A_189, %parallel_loop3A_190 : i32
      %parallel_loop3A_192 = arith.constant 1 : i32
      %parallel_loop3A_193 = arith.select %parallel_loop3A_191, %parallel_loop3A_192, %parallel_loop3A_189 : i32
      %parallel_loop3A_194 = arith.remsi %parallel_loop3A_164, %parallel_loop3A_193 : i32
      %parallel_loop3A_195 = arith.constant 0 : i32
      %parallel_loop3A_196 = arith.cmpi ne, %parallel_loop3A_194, %parallel_loop3A_195 : i32
      %parallel_loop3A_197 = arith.constant 0 : i32
      %parallel_loop3A_198 = arith.cmpi slt, %parallel_loop3A_194, %parallel_loop3A_197 : i32
      %parallel_loop3A_199 = arith.constant 0 : i32
      %parallel_loop3A_200 = arith.cmpi slt, %parallel_loop3A_193, %parallel_loop3A_199 : i32
      %parallel_loop3A_201 = arith.xori %parallel_loop3A_198, %parallel_loop3A_200 : i1
      %parallel_loop3A_202 = arith.andi %parallel_loop3A_201, %parallel_loop3A_196 : i1
      %parallel_loop3A_203 = arith.addi %parallel_loop3A_194, %parallel_loop3A_193 : i32
      %parallel_loop3A_204 = arith.select %parallel_loop3A_202, %parallel_loop3A_203, %parallel_loop3A_194 : i32
      %parallel_loop3A_205 = arith.constant 128 : i32
      %parallel_loop3A_206 = arith.muli %parallel_loop3A_204, %parallel_loop3A_205 : i32
      %parallel_loop3A_207 = arith.constant 0 : i32
      %parallel_loop3A_208 = arith.addi %parallel_loop3A_206, %parallel_loop3A_207 : i32
      %parallel_loop3A_209 = arith.constant 0 : i32
      %parallel_loop3A_210 = arith.addi %parallel_loop3A_209, %parallel_loop3A_188 : i32
      %parallel_loop3A_211 = arith.index_cast %parallel_loop3A_210 : i32 to index
      %parallel_loop3A_212 = arith.index_cast %parallel_loop3A_208 : i32 to index
      %parallel_loop3A_213 = tpu.vector_load %arg5[%parallel_loop3A_211, %parallel_loop3A_212] {strides = array<i32>} : memref<64x1024xf32, #tpu.memory_space<vmem>>, vector<1x16xf32>,
      %parallel_loop3A_214 = vector.shape_cast %parallel_loop3A_213 : vector<1x16xf32> to vector<16xf32>
      %parallel_loop3A_215 = arith.index_cast %parallel_loop3A_188 : i32 to index
      %parallel_loop3A_216 = arith.index_cast %parallel_loop3A_208 : i32 to index
      %parallel_loop3A_217 = tpu.vector_load %arg6[%parallel_loop3A_215, %parallel_loop3A_216] {strides = array<i32>} : memref<16x1024xf32, #tpu.memory_space<vmem>>, vector<1x16xf32>,
      %parallel_loop3A_218 = vector.shape_cast %parallel_loop3A_217 : vector<1x16xf32> to vector<16xf32>
      %parallel_loop3A_219 = vector.shape_cast %parallel_loop3A_214 : vector<16xf32> to vector<1x16xf32>
      tpu.vector_store %arg6[%parallel_loop3A_215, %parallel_loop3A_216], %parallel_loop3A_219 {add = true, strides = array<i32>} : memref<16x1024xf32, #tpu.memory_space<vmem>>, vector<1x16xf32>,
      %parallel_loop3A_220 = arith.constant 16 : i32
      %parallel_loop3A_221 = arith.addi %parallel_loop3A_206, %parallel_loop3A_220 : i32
      %parallel_loop3A_222 = arith.constant 0 : i32
      %parallel_loop3A_223 = arith.addi %parallel_loop3A_222, %parallel_loop3A_188 : i32
      %parallel_loop3A_224 = arith.index_cast %parallel_loop3A_223 : i32 to index
      %parallel_loop3A_225 = arith.index_cast %parallel_loop3A_221 : i32 to index
      %parallel_loop3A_226 = tpu.vector_load %arg5[%parallel_loop3A_224, %parallel_loop3A_225] {strides = array<i32>} : memref<64x1024xf32, #tpu.memory_space<vmem>>, vector<1x16xf32>,
      %parallel_loop3A_227 = vector.shape_cast %parallel_loop3A_226 : vector<1x16xf32> to vector<16xf32>
      %parallel_loop3A_228 = arith.index_cast %parallel_loop3A_188 : i32 to index
      %parallel_loop3A_229 = arith.index_cast %parallel_loop3A_221 : i32 to index
      %parallel_loop3A_230 = tpu.vector_load %arg6[%parallel_loop3A_228, %parallel_loop3A_229] {strides = array<i32>} : memref<16x1024xf32, #tpu.memory_space<vmem>>, vector<1x16xf32>,
      %parallel_loop3A_231 = vector.shape_cast %parallel_loop3A_230 : vector<1x16xf32> to vector<16xf32>
      %parallel_loop3A_232 = vector.shape_cast %parallel_loop3A_227 : vector<16xf32> to vector<1x16xf32>
      tpu.vector_store %arg6[%parallel_loop3A_228, %parallel_loop3A_229], %parallel_loop3A_232 {add = true, strides = array<i32>} : memref<16x1024xf32, #tpu.memory_space<vmem>>, vector<1x16xf32>,
      %parallel_loop3A_233 = arith.constant 32 : i32
      %parallel_loop3A_234 = arith.addi %parallel_loop3A_206, %parallel_loop3A_233 : i32
      %parallel_loop3A_235 = arith.constant 0 : i32
      %parallel_loop3A_236 = arith.addi %parallel_loop3A_235, %parallel_loop3A_188 : i32
      %parallel_loop3A_237 = arith.index_cast %parallel_loop3A_236 : i32 to index
      %parallel_loop3A_238 = arith.index_cast %parallel_loop3A_234 : i32 to index
      %parallel_loop3A_239 = tpu.vector_load %arg5[%parallel_loop3A_237, %parallel_loop3A_238] {strides = array<i32>} : memref<64x1024xf32, #tpu.memory_space<vmem>>, vector<1x16xf32>,
      %parallel_loop3A_240 = vector.shape_cast %parallel_loop3A_239 : vector<1x16xf32> to vector<16xf32>
      %parallel_loop3A_241 = arith.index_cast %parallel_loop3A_188 : i32 to index
      %parallel_loop3A_242 = arith.index_cast %parallel_loop3A_234 : i32 to index
      %parallel_loop3A_243 = tpu.vector_load %arg6[%parallel_loop3A_241, %parallel_loop3A_242] {strides = array<i32>} : memref<16x1024xf32, #tpu.memory_space<vmem>>, vector<1x16xf32>,
      %parallel_loop3A_244 = vector.shape_cast %parallel_loop3A_243 : vector<1x16xf32> to vector<16xf32>
      %parallel_loop3A_245 = vector.shape_cast %parallel_loop3A_240 : vector<16xf32> to vector<1x16xf32>
      tpu.vector_store %arg6[%parallel_loop3A_241, %parallel_loop3A_242], %parallel_loop3A_245 {add = true, strides = array<i32>} : memref<16x1024xf32, #tpu.memory_space<vmem>>, vector<1x16xf32>,
      %parallel_loop3A_246 = arith.constant 48 : i32
      %parallel_loop3A_247 = arith.addi %parallel_loop3A_206, %parallel_loop3A_246 : i32
      %parallel_loop3A_248 = arith.constant 0 : i32
      %parallel_loop3A_249 = arith.addi %parallel_loop3A_248, %parallel_loop3A_188 : i32
      %parallel_loop3A_250 = arith.index_cast %parallel_loop3A_249 : i32 to index
      %parallel_loop3A_251 = arith.index_cast %parallel_loop3A_247 : i32 to index
      %parallel_loop3A_252 = tpu.vector_load %arg5[%parallel_loop3A_250, %parallel_loop3A_251] {strides = array<i32>} : memref<64x1024xf32, #tpu.memory_space<vmem>>, vector<1x16xf32>,
      %parallel_loop3A_253 = vector.shape_cast %parallel_loop3A_252 : vector<1x16xf32> to vector<16xf32>
      %parallel_loop3A_254 = arith.index_cast %parallel_loop3A_188 : i32 to index
      %parallel_loop3A_255 = arith.index_cast %parallel_loop3A_247 : i32 to index
      %parallel_loop3A_256 = tpu.vector_load %arg6[%parallel_loop3A_254, %parallel_loop3A_255] {strides = array<i32>} : memref<16x1024xf32, #tpu.memory_space<vmem>>, vector<1x16xf32>,
      %parallel_loop3A_257 = vector.shape_cast %parallel_loop3A_256 : vector<1x16xf32> to vector<16xf32>
      %parallel_loop3A_258 = vector.shape_cast %parallel_loop3A_253 : vector<16xf32> to vector<1x16xf32>
      tpu.vector_store %arg6[%parallel_loop3A_254, %parallel_loop3A_255], %parallel_loop3A_258 {add = true, strides = array<i32>} : memref<16x1024xf32, #tpu.memory_space<vmem>>, vector<1x16xf32>,
      %parallel_loop3A_259 = arith.constant 64 : i32
      %parallel_loop3A_260 = arith.addi %parallel_loop3A_206, %parallel_loop3A_259 : i32
      %parallel_loop3A_261 = arith.constant 0 : i32
      %parallel_loop3A_262 = arith.addi %parallel_loop3A_261, %parallel_loop3A_188 : i32
      %parallel_loop3A_263 = arith.index_cast %parallel_loop3A_262 : i32 to index
      %parallel_loop3A_264 = arith.index_cast %parallel_loop3A_260 : i32 to index
      %parallel_loop3A_265 = tpu.vector_load %arg5[%parallel_loop3A_263, %parallel_loop3A_264] {strides = array<i32>} : memref<64x1024xf32, #tpu.memory_space<vmem>>, vector<1x16xf32>,
      %parallel_loop3A_266 = vector.shape_cast %parallel_loop3A_265 : vector<1x16xf32> to vector<16xf32>
      %parallel_loop3A_267 = arith.index_cast %parallel_loop3A_188 : i32 to index
      %parallel_loop3A_268 = arith.index_cast %parallel_loop3A_260 : i32 to index
      %parallel_loop3A_269 = tpu.vector_load %arg6[%parallel_loop3A_267, %parallel_loop3A_268] {strides = array<i32>} : memref<16x1024xf32, #tpu.memory_space<vmem>>, vector<1x16xf32>,
      %parallel_loop3A_270 = vector.shape_cast %parallel_loop3A_269 : vector<1x16xf32> to vector<16xf32>
      %parallel_loop3A_271 = vector.shape_cast %parallel_loop3A_266 : vector<16xf32> to vector<1x16xf32>
      tpu.vector_store %arg6[%parallel_loop3A_267, %parallel_loop3A_268], %parallel_loop3A_271 {add = true, strides = array<i32>} : memref<16x1024xf32, #tpu.memory_space<vmem>>, vector<1x16xf32>,
      %parallel_loop3A_272 = arith.constant 80 : i32
      %parallel_loop3A_273 = arith.addi %parallel_loop3A_206, %parallel_loop3A_272 : i32
      %parallel_loop3A_274 = arith.constant 0 : i32
      %parallel_loop3A_275 = arith.addi %parallel_loop3A_274, %parallel_loop3A_188 : i32
      %parallel_loop3A_276 = arith.index_cast %parallel_loop3A_275 : i32 to index
      %parallel_loop3A_277 = arith.index_cast %parallel_loop3A_273 : i32 to index
      %parallel_loop3A_278 = tpu.vector_load %arg5[%parallel_loop3A_276, %parallel_loop3A_277] {strides = array<i32>} : memref<64x1024xf32, #tpu.memory_space<vmem>>, vector<1x16xf32>,
      %parallel_loop3A_279 = vector.shape_cast %parallel_loop3A_278 : vector<1x16xf32> to vector<16xf32>
      %parallel_loop3A_280 = arith.index_cast %parallel_loop3A_188 : i32 to index
      %parallel_loop3A_281 = arith.index_cast %parallel_loop3A_273 : i32 to index
      %parallel_loop3A_282 = tpu.vector_load %arg6[%parallel_loop3A_280, %parallel_loop3A_281] {strides = array<i32>} : memref<16x1024xf32, #tpu.memory_space<vmem>>, vector<1x16xf32>,
      %parallel_loop3A_283 = vector.shape_cast %parallel_loop3A_282 : vector<1x16xf32> to vector<16xf32>
      %parallel_loop3A_284 = vector.shape_cast %parallel_loop3A_279 : vector<16xf32> to vector<1x16xf32>
      tpu.vector_store %arg6[%parallel_loop3A_280, %parallel_loop3A_281], %parallel_loop3A_284 {add = true, strides = array<i32>} : memref<16x1024xf32, #tpu.memory_space<vmem>>, vector<1x16xf32>,
      %parallel_loop3A_285 = arith.constant 96 : i32
      %parallel_loop3A_286 = arith.addi %parallel_loop3A_206, %parallel_loop3A_285 : i32
      %parallel_loop3A_287 = arith.constant 0 : i32
      %parallel_loop3A_288 = arith.addi %parallel_loop3A_287, %parallel_loop3A_188 : i32
      %parallel_loop3A_289 = arith.index_cast %parallel_loop3A_288 : i32 to index
      %parallel_loop3A_290 = arith.index_cast %parallel_loop3A_286 : i32 to index
      %parallel_loop3A_291 = tpu.vector_load %arg5[%parallel_loop3A_289, %parallel_loop3A_290] {strides = array<i32>} : memref<64x1024xf32, #tpu.memory_space<vmem>>, vector<1x16xf32>,
      %parallel_loop3A_292 = vector.shape_cast %parallel_loop3A_291 : vector<1x16xf32> to vector<16xf32>
      %parallel_loop3A_293 = arith.index_cast %parallel_loop3A_188 : i32 to index
      %parallel_loop3A_294 = arith.index_cast %parallel_loop3A_286 : i32 to index
      %parallel_loop3A_295 = tpu.vector_load %arg6[%parallel_loop3A_293, %parallel_loop3A_294] {strides = array<i32>} : memref<16x1024xf32, #tpu.memory_space<vmem>>, vector<1x16xf32>,
      %parallel_loop3A_296 = vector.shape_cast %parallel_loop3A_295 : vector<1x16xf32> to vector<16xf32>
      %parallel_loop3A_297 = vector.shape_cast %parallel_loop3A_292 : vector<16xf32> to vector<1x16xf32>
      tpu.vector_store %arg6[%parallel_loop3A_293, %parallel_loop3A_294], %parallel_loop3A_297 {add = true, strides = array<i32>} : memref<16x1024xf32, #tpu.memory_space<vmem>>, vector<1x16xf32>,
      %parallel_loop3A_298 = arith.constant 112 : i32
      %parallel_loop3A_299 = arith.addi %parallel_loop3A_206, %parallel_loop3A_298 : i32
      %parallel_loop3A_300 = arith.constant 0 : i32
      %parallel_loop3A_301 = arith.addi %parallel_loop3A_300, %parallel_loop3A_188 : i32
      %parallel_loop3A_302 = arith.index_cast %parallel_loop3A_301 : i32 to index
      %parallel_loop3A_303 = arith.index_cast %parallel_loop3A_299 : i32 to index
      %parallel_loop3A_304 = tpu.vector_load %arg5[%parallel_loop3A_302, %parallel_loop3A_303] {strides = array<i32>} : memref<64x1024xf32, #tpu.memory_space<vmem>>, vector<1x16xf32>,
      %parallel_loop3A_305 = vector.shape_cast %parallel_loop3A_304 : vector<1x16xf32> to vector<16xf32>
      %parallel_loop3A_306 = arith.index_cast %parallel_loop3A_188 : i32 to index
      %parallel_loop3A_307 = arith.index_cast %parallel_loop3A_299 : i32 to index
      %parallel_loop3A_308 = tpu.vector_load %arg6[%parallel_loop3A_306, %parallel_loop3A_307] {strides = array<i32>} : memref<16x1024xf32, #tpu.memory_space<vmem>>, vector<1x16xf32>,
      %parallel_loop3A_309 = vector.shape_cast %parallel_loop3A_308 : vector<1x16xf32> to vector<16xf32>
      %parallel_loop3A_310 = vector.shape_cast %parallel_loop3A_305 : vector<16xf32> to vector<1x16xf32>
      tpu.vector_store %arg6[%parallel_loop3A_306, %parallel_loop3A_307], %parallel_loop3A_310 {add = true, strides = array<i32>} : memref<16x1024xf32, #tpu.memory_space<vmem>>, vector<1x16xf32>,
    } {sc.loop_unroll_factor = 1 : i64, sc.parallel_access}
    %add3A_38 = arith.constant 0 : i32
    %add3A_39 = arith.addi %mul3A_2, %add3A_38 : i32
    %dma_start3A_40 = arith.constant 0 : i32
    %dma_start3A_41 = arith.constant 0 : i32
    %dma_start3A_42 = tpu.memref_slice %arg4[%dma_start3A_40, %add3A_39, %dma_start3A_41] : memref<1x2048x1024xf32, #tpu.memory_space<hbm>> -> memref<1x16x1024xf32, #tpu.memory_space<hbm>>
    %dma_start3A_43 = tpu.memref_squeeze %dma_start3A_42 : memref<1x16x1024xf32, #tpu.memory_space<hbm>> -> memref<16x1024xf32, #tpu.memory_space<hbm>>
    %dma_start3A_44 = arith.constant 0 : i32
    %dma_start3A_45 = tpu.memref_slice %arg4[%dma_start3A_40, %add3A_39, %dma_start3A_44] : memref<1x2048x1024xf32, #tpu.memory_space<hbm>> -> memref<1x16x1024xf32, #tpu.memory_space<hbm>>
    %dma_start3A_46 = tpu.memref_squeeze %dma_start3A_45 : memref<1x16x1024xf32, #tpu.memory_space<hbm>> -> memref<16x1024xf32, #tpu.memory_space<hbm>>
    tpu.enqueue_dma source(%arg6 : memref<16x1024xf32, #tpu.memory_space<vmem>>) target(%dma_start3A_46 : memref<16x1024xf32, #tpu.memory_space<hbm>>) target_semaphore(%arg13 : memref<!tpu.dma_semaphore, #tpu.memory_space<semaphore_mem>>)
    %add3A_47 = arith.constant 32 : i32
    %add3A_48 = arith.addi %mul3A_2, %add3A_47 : i32
    %dma_start3A_49 = arith.constant 0 : i32
    %dma_start3A_50 = arith.constant 0 : i32
    %dma_start3A_51 = tpu.memref_slice %arg2[%dma_start3A_49, %add3A_48, %dma_start3A_50] : memref<4x2048x1024xf32, #tpu.memory_space<hbm>> -> memref<1x16x1024xf32, #tpu.memory_space<hbm>>
    %dma_start3A_52 = tpu.memref_squeeze %dma_start3A_51 : memref<1x16x1024xf32, #tpu.memory_space<hbm>> -> memref<16x1024xf32, #tpu.memory_space<hbm>>
    %dma_start3A_53 = arith.constant 0 : i32
    %dma_start3A_54 = tpu.memref_slice %arg2[%dma_start3A_49, %add3A_48, %dma_start3A_53] : memref<4x2048x1024xf32, #tpu.memory_space<hbm>> -> memref<1x16x1024xf32, #tpu.memory_space<hbm>>
    %dma_start3A_55 = tpu.memref_squeeze %dma_start3A_54 : memref<1x16x1024xf32, #tpu.memory_space<hbm>> -> memref<16x1024xf32, #tpu.memory_space<hbm>>
    tpu.enqueue_dma source(%dma_start3A_55 : memref<16x1024xf32, #tpu.memory_space<hbm>>) target(%arg8 : memref<16x1024xf32, #tpu.memory_space<vmem>>) target_semaphore(%arg12 : memref<!tpu.dma_semaphore, #tpu.memory_space<semaphore_mem>>)
    %add3A_56 = arith.constant 16 : i32
    %add3A_57 = arith.addi %mul3A_2, %add3A_56 : i32
    %dma_wait3A_58 = arith.constant 0 : i32
    %dma_wait3A_59 = arith.constant 0 : i32
    %dma_wait3A_60 = tpu.memref_slice %arg2[%dma_wait3A_58, %add3A_57, %dma_wait3A_59] : memref<4x2048x1024xf32, #tpu.memory_space<hbm>> -> memref<1x16x1024xf32, #tpu.memory_space<hbm>>
    %dma_wait3A_61 = tpu.memref_squeeze %dma_wait3A_60 : memref<1x16x1024xf32, #tpu.memory_space<hbm>> -> memref<16x1024xf32, #tpu.memory_space<hbm>>
    %dma_wait3A_62 = arith.constant 0 : i32
    %dma_wait3A_63 = tpu.memref_slice %arg2[%dma_wait3A_58, %add3A_57, %dma_wait3A_62] : memref<4x2048x1024xf32, #tpu.memory_space<hbm>> -> memref<1x16x1024xf32, #tpu.memory_space<hbm>>
    %dma_wait3A_64 = tpu.memref_squeeze %dma_wait3A_63 : memref<1x16x1024xf32, #tpu.memory_space<hbm>> -> memref<16x1024xf32, #tpu.memory_space<hbm>>
    tpu.wait_dma2 semaphore(%arg11 : memref<!tpu.dma_semaphore, #tpu.memory_space<semaphore_mem>>) src(%dma_wait3A_64 : memref<16x1024xf32, #tpu.memory_space<hbm>>) dst(%arg7 : memref<16x1024xf32, #tpu.memory_space<vmem>>)
    %parallel_loop3A_65 = arith.constant 0 : i32
    %parallel_loop3A_66 = arith.constant 128 : i32
    %parallel_loop3A_67 = arith.constant 1 : i32
    scf.for %parallel_loop3A_164 = %parallel_loop3A_65 to %parallel_loop3A_66 step %parallel_loop3A_67  : i32 {
      %parallel_loop3A_165 = arith.constant 8 : i32
      %parallel_loop3A_166 = arith.divsi %parallel_loop3A_164, %parallel_loop3A_165 : i32
      %parallel_loop3A_167 = arith.constant 0 : i32
      %parallel_loop3A_168 = arith.cmpi sgt, %parallel_loop3A_164, %parallel_loop3A_167 : i32
      %parallel_loop3A_169 = arith.extui %parallel_loop3A_168 : i1 to i32
      %parallel_loop3A_170 = arith.constant 0 : i32
      %parallel_loop3A_171 = arith.cmpi slt, %parallel_loop3A_164, %parallel_loop3A_170 : i32
      %parallel_loop3A_172 = arith.extui %parallel_loop3A_171 : i1 to i32
      %parallel_loop3A_173 = arith.subi %parallel_loop3A_169, %parallel_loop3A_172 : i32
      %parallel_loop3A_174 = arith.constant 0 : i32
      %parallel_loop3A_175 = arith.cmpi sgt, %parallel_loop3A_165, %parallel_loop3A_174 : i32
      %parallel_loop3A_176 = arith.extui %parallel_loop3A_175 : i1 to i32
      %parallel_loop3A_177 = arith.constant 0 : i32
      %parallel_loop3A_178 = arith.cmpi slt, %parallel_loop3A_165, %parallel_loop3A_177 : i32
      %parallel_loop3A_179 = arith.extui %parallel_loop3A_178 : i1 to i32
      %parallel_loop3A_180 = arith.subi %parallel_loop3A_176, %parallel_loop3A_179 : i32
      %parallel_loop3A_181 = arith.cmpi ne, %parallel_loop3A_173, %parallel_loop3A_180 : i32
      %parallel_loop3A_182 = arith.remsi %parallel_loop3A_164, %parallel_loop3A_165 : i32
      %parallel_loop3A_183 = arith.constant 0 : i32
      %parallel_loop3A_184 = arith.cmpi ne, %parallel_loop3A_182, %parallel_loop3A_183 : i32
      %parallel_loop3A_185 = arith.andi %parallel_loop3A_181, %parallel_loop3A_184 : i1
      %parallel_loop3A_186 = arith.constant 1 : i32
      %parallel_loop3A_187 = arith.subi %parallel_loop3A_166, %parallel_loop3A_186 : i32
      %parallel_loop3A_188 = arith.select %parallel_loop3A_185, %parallel_loop3A_187, %parallel_loop3A_166 : i32
      %parallel_loop3A_189 = arith.constant 8 : i32
      %parallel_loop3A_190 = arith.constant 0 : i32
      %parallel_loop3A_191 = arith.cmpi eq, %parallel_loop3A_189, %parallel_loop3A_190 : i32
      %parallel_loop3A_192 = arith.constant 1 : i32
      %parallel_loop3A_193 = arith.select %parallel_loop3A_191, %parallel_loop3A_192, %parallel_loop3A_189 : i32
      %parallel_loop3A_194 = arith.remsi %parallel_loop3A_164, %parallel_loop3A_193 : i32
      %parallel_loop3A_195 = arith.constant 0 : i32
      %parallel_loop3A_196 = arith.cmpi ne, %parallel_loop3A_194, %parallel_loop3A_195 : i32
      %parallel_loop3A_197 = arith.constant 0 : i32
      %parallel_loop3A_198 = arith.cmpi slt, %parallel_loop3A_194, %parallel_loop3A_197 : i32
      %parallel_loop3A_199 = arith.constant 0 : i32
      %parallel_loop3A_200 = arith.cmpi slt, %parallel_loop3A_193, %parallel_loop3A_199 : i32
      %parallel_loop3A_201 = arith.xori %parallel_loop3A_198, %parallel_loop3A_200 : i1
      %parallel_loop3A_202 = arith.andi %parallel_loop3A_201, %parallel_loop3A_196 : i1
      %parallel_loop3A_203 = arith.addi %parallel_loop3A_194, %parallel_loop3A_193 : i32
      %parallel_loop3A_204 = arith.select %parallel_loop3A_202, %parallel_loop3A_203, %parallel_loop3A_194 : i32
      %parallel_loop3A_205 = arith.constant 128 : i32
      %parallel_loop3A_206 = arith.muli %parallel_loop3A_204, %parallel_loop3A_205 : i32
      %parallel_loop3A_207 = arith.constant 0 : i32
      %parallel_loop3A_208 = arith.addi %parallel_loop3A_206, %parallel_loop3A_207 : i32
      %parallel_loop3A_209 = arith.constant 16 : i32
      %parallel_loop3A_210 = arith.addi %parallel_loop3A_209, %parallel_loop3A_188 : i32
      %parallel_loop3A_211 = arith.index_cast %parallel_loop3A_210 : i32 to index
      %parallel_loop3A_212 = arith.index_cast %parallel_loop3A_208 : i32 to index
      %parallel_loop3A_213 = tpu.vector_load %arg5[%parallel_loop3A_211, %parallel_loop3A_212] {strides = array<i32>} : memref<64x1024xf32, #tpu.memory_space<vmem>>, vector<1x16xf32>,
      %parallel_loop3A_214 = vector.shape_cast %parallel_loop3A_213 : vector<1x16xf32> to vector<16xf32>
      %parallel_loop3A_215 = arith.index_cast %parallel_loop3A_188 : i32 to index
      %parallel_loop3A_216 = arith.index_cast %parallel_loop3A_208 : i32 to index
      %parallel_loop3A_217 = tpu.vector_load %arg7[%parallel_loop3A_215, %parallel_loop3A_216] {strides = array<i32>} : memref<16x1024xf32, #tpu.memory_space<vmem>>, vector<1x16xf32>,
      %parallel_loop3A_218 = vector.shape_cast %parallel_loop3A_217 : vector<1x16xf32> to vector<16xf32>
      %parallel_loop3A_219 = vector.shape_cast %parallel_loop3A_214 : vector<16xf32> to vector<1x16xf32>
      tpu.vector_store %arg7[%parallel_loop3A_215, %parallel_loop3A_216], %parallel_loop3A_219 {add = true, strides = array<i32>} : memref<16x1024xf32, #tpu.memory_space<vmem>>, vector<1x16xf32>,
      %parallel_loop3A_220 = arith.constant 16 : i32
      %parallel_loop3A_221 = arith.addi %parallel_loop3A_206, %parallel_loop3A_220 : i32
      %parallel_loop3A_222 = arith.constant 16 : i32
      %parallel_loop3A_223 = arith.addi %parallel_loop3A_222, %parallel_loop3A_188 : i32
      %parallel_loop3A_224 = arith.index_cast %parallel_loop3A_223 : i32 to index
      %parallel_loop3A_225 = arith.index_cast %parallel_loop3A_221 : i32 to index
      %parallel_loop3A_226 = tpu.vector_load %arg5[%parallel_loop3A_224, %parallel_loop3A_225] {strides = array<i32>} : memref<64x1024xf32, #tpu.memory_space<vmem>>, vector<1x16xf32>,
      %parallel_loop3A_227 = vector.shape_cast %parallel_loop3A_226 : vector<1x16xf32> to vector<16xf32>
      %parallel_loop3A_228 = arith.index_cast %parallel_loop3A_188 : i32 to index
      %parallel_loop3A_229 = arith.index_cast %parallel_loop3A_221 : i32 to index
      %parallel_loop3A_230 = tpu.vector_load %arg7[%parallel_loop3A_228, %parallel_loop3A_229] {strides = array<i32>} : memref<16x1024xf32, #tpu.memory_space<vmem>>, vector<1x16xf32>,
      %parallel_loop3A_231 = vector.shape_cast %parallel_loop3A_230 : vector<1x16xf32> to vector<16xf32>
      %parallel_loop3A_232 = vector.shape_cast %parallel_loop3A_227 : vector<16xf32> to vector<1x16xf32>
      tpu.vector_store %arg7[%parallel_loop3A_228, %parallel_loop3A_229], %parallel_loop3A_232 {add = true, strides = array<i32>} : memref<16x1024xf32, #tpu.memory_space<vmem>>, vector<1x16xf32>,
      %parallel_loop3A_233 = arith.constant 32 : i32
      %parallel_loop3A_234 = arith.addi %parallel_loop3A_206, %parallel_loop3A_233 : i32
      %parallel_loop3A_235 = arith.constant 16 : i32
      %parallel_loop3A_236 = arith.addi %parallel_loop3A_235, %parallel_loop3A_188 : i32
      %parallel_loop3A_237 = arith.index_cast %parallel_loop3A_236 : i32 to index
      %parallel_loop3A_238 = arith.index_cast %parallel_loop3A_234 : i32 to index
      %parallel_loop3A_239 = tpu.vector_load %arg5[%parallel_loop3A_237, %parallel_loop3A_238] {strides = array<i32>} : memref<64x1024xf32, #tpu.memory_space<vmem>>, vector<1x16xf32>,
      %parallel_loop3A_240 = vector.shape_cast %parallel_loop3A_239 : vector<1x16xf32> to vector<16xf32>
      %parallel_loop3A_241 = arith.index_cast %parallel_loop3A_188 : i32 to index
      %parallel_loop3A_242 = arith.index_cast %parallel_loop3A_234 : i32 to index
      %parallel_loop3A_243 = tpu.vector_load %arg7[%parallel_loop3A_241, %parallel_loop3A_242] {strides = array<i32>} : memref<16x1024xf32, #tpu.memory_space<vmem>>, vector<1x16xf32>,
      %parallel_loop3A_244 = vector.shape_cast %parallel_loop3A_243 : vector<1x16xf32> to vector<16xf32>
      %parallel_loop3A_245 = vector.shape_cast %parallel_loop3A_240 : vector<16xf32> to vector<1x16xf32>
      tpu.vector_store %arg7[%parallel_loop3A_241, %parallel_loop3A_242], %parallel_loop3A_245 {add = true, strides = array<i32>} : memref<16x1024xf32, #tpu.memory_space<vmem>>, vector<1x16xf32>,
      %parallel_loop3A_246 = arith.constant 48 : i32
      %parallel_loop3A_247 = arith.addi %parallel_loop3A_206, %parallel_loop3A_246 : i32
      %parallel_loop3A_248 = arith.constant 16 : i32
      %parallel_loop3A_249 = arith.addi %parallel_loop3A_248, %parallel_loop3A_188 : i32
      %parallel_loop3A_250 = arith.index_cast %parallel_loop3A_249 : i32 to index
      %parallel_loop3A_251 = arith.index_cast %parallel_loop3A_247 : i32 to index
      %parallel_loop3A_252 = tpu.vector_load %arg5[%parallel_loop3A_250, %parallel_loop3A_251] {strides = array<i32>} : memref<64x1024xf32, #tpu.memory_space<vmem>>, vector<1x16xf32>,
      %parallel_loop3A_253 = vector.shape_cast %parallel_loop3A_252 : vector<1x16xf32> to vector<16xf32>
      %parallel_loop3A_254 = arith.index_cast %parallel_loop3A_188 : i32 to index
      %parallel_loop3A_255 = arith.index_cast %parallel_loop3A_247 : i32 to index
      %parallel_loop3A_256 = tpu.vector_load %arg7[%parallel_loop3A_254, %parallel_loop3A_255] {strides = array<i32>} : memref<16x1024xf32, #tpu.memory_space<vmem>>, vector<1x16xf32>,
      %parallel_loop3A_257 = vector.shape_cast %parallel_loop3A_256 : vector<1x16xf32> to vector<16xf32>
      %parallel_loop3A_258 = vector.shape_cast %parallel_loop3A_253 : vector<16xf32> to vector<1x16xf32>
      tpu.vector_store %arg7[%parallel_loop3A_254, %parallel_loop3A_255], %parallel_loop3A_258 {add = true, strides = array<i32>} : memref<16x1024xf32, #tpu.memory_space<vmem>>, vector<1x16xf32>,
      %parallel_loop3A_259 = arith.constant 64 : i32
      %parallel_loop3A_260 = arith.addi %parallel_loop3A_206, %parallel_loop3A_259 : i32
      %parallel_loop3A_261 = arith.constant 16 : i32
      %parallel_loop3A_262 = arith.addi %parallel_loop3A_261, %parallel_loop3A_188 : i32
      %parallel_loop3A_263 = arith.index_cast %parallel_loop3A_262 : i32 to index
      %parallel_loop3A_264 = arith.index_cast %parallel_loop3A_260 : i32 to index
      %parallel_loop3A_265 = tpu.vector_load %arg5[%parallel_loop3A_263, %parallel_loop3A_264] {strides = array<i32>} : memref<64x1024xf32, #tpu.memory_space<vmem>>, vector<1x16xf32>,
      %parallel_loop3A_266 = vector.shape_cast %parallel_loop3A_265 : vector<1x16xf32> to vector<16xf32>
      %parallel_loop3A_267 = arith.index_cast %parallel_loop3A_188 : i32 to index
      %parallel_loop3A_268 = arith.index_cast %parallel_loop3A_260 : i32 to index
      %parallel_loop3A_269 = tpu.vector_load %arg7[%parallel_loop3A_267, %parallel_loop3A_268] {strides = array<i32>} : memref<16x1024xf32, #tpu.memory_space<vmem>>, vector<1x16xf32>,
      %parallel_loop3A_270 = vector.shape_cast %parallel_loop3A_269 : vector<1x16xf32> to vector<16xf32>
      %parallel_loop3A_271 = vector.shape_cast %parallel_loop3A_266 : vector<16xf32> to vector<1x16xf32>
      tpu.vector_store %arg7[%parallel_loop3A_267, %parallel_loop3A_268], %parallel_loop3A_271 {add = true, strides = array<i32>} : memref<16x1024xf32, #tpu.memory_space<vmem>>, vector<1x16xf32>,
      %parallel_loop3A_272 = arith.constant 80 : i32
      %parallel_loop3A_273 = arith.addi %parallel_loop3A_206, %parallel_loop3A_272 : i32
      %parallel_loop3A_274 = arith.constant 16 : i32
      %parallel_loop3A_275 = arith.addi %parallel_loop3A_274, %parallel_loop3A_188 : i32
      %parallel_loop3A_276 = arith.index_cast %parallel_loop3A_275 : i32 to index
      %parallel_loop3A_277 = arith.index_cast %parallel_loop3A_273 : i32 to index
      %parallel_loop3A_278 = tpu.vector_load %arg5[%parallel_loop3A_276, %parallel_loop3A_277] {strides = array<i32>} : memref<64x1024xf32, #tpu.memory_space<vmem>>, vector<1x16xf32>,
      %parallel_loop3A_279 = vector.shape_cast %parallel_loop3A_278 : vector<1x16xf32> to vector<16xf32>
      %parallel_loop3A_280 = arith.index_cast %parallel_loop3A_188 : i32 to index
      %parallel_loop3A_281 = arith.index_cast %parallel_loop3A_273 : i32 to index
      %parallel_loop3A_282 = tpu.vector_load %arg7[%parallel_loop3A_280, %parallel_loop3A_281] {strides = array<i32>} : memref<16x1024xf32, #tpu.memory_space<vmem>>, vector<1x16xf32>,
      %parallel_loop3A_283 = vector.shape_cast %parallel_loop3A_282 : vector<1x16xf32> to vector<16xf32>
      %parallel_loop3A_284 = vector.shape_cast %parallel_loop3A_279 : vector<16xf32> to vector<1x16xf32>
      tpu.vector_store %arg7[%parallel_loop3A_280, %parallel_loop3A_281], %parallel_loop3A_284 {add = true, strides = array<i32>} : memref<16x1024xf32, #tpu.memory_space<vmem>>, vector<1x16xf32>,
      %parallel_loop3A_285 = arith.constant 96 : i32
      %parallel_loop3A_286 = arith.addi %parallel_loop3A_206, %parallel_loop3A_285 : i32
      %parallel_loop3A_287 = arith.constant 16 : i32
      %parallel_loop3A_288 = arith.addi %parallel_loop3A_287, %parallel_loop3A_188 : i32
      %parallel_loop3A_289 = arith.index_cast %parallel_loop3A_288 : i32 to index
      %parallel_loop3A_290 = arith.index_cast %parallel_loop3A_286 : i32 to index
      %parallel_loop3A_291 = tpu.vector_load %arg5[%parallel_loop3A_289, %parallel_loop3A_290] {strides = array<i32>} : memref<64x1024xf32, #tpu.memory_space<vmem>>, vector<1x16xf32>,
      %parallel_loop3A_292 = vector.shape_cast %parallel_loop3A_291 : vector<1x16xf32> to vector<16xf32>
      %parallel_loop3A_293 = arith.index_cast %parallel_loop3A_188 : i32 to index
      %parallel_loop3A_294 = arith.index_cast %parallel_loop3A_286 : i32 to index
      %parallel_loop3A_295 = tpu.vector_load %arg7[%parallel_loop3A_293, %parallel_loop3A_294] {strides = array<i32>} : memref<16x1024xf32, #tpu.memory_space<vmem>>, vector<1x16xf32>,
      %parallel_loop3A_296 = vector.shape_cast %parallel_loop3A_295 : vector<1x16xf32> to vector<16xf32>
      %parallel_loop3A_297 = vector.shape_cast %parallel_loop3A_292 : vector<16xf32> to vector<1x16xf32>
      tpu.vector_store %arg7[%parallel_loop3A_293, %parallel_loop3A_294], %parallel_loop3A_297 {add = true, strides = array<i32>} : memref<16x1024xf32, #tpu.memory_space<vmem>>, vector<1x16xf32>,
      %parallel_loop3A_298 = arith.constant 112 : i32
      %parallel_loop3A_299 = arith.addi %parallel_loop3A_206, %parallel_loop3A_298 : i32
      %parallel_loop3A_300 = arith.constant 16 : i32
      %parallel_loop3A_301 = arith.addi %parallel_loop3A_300, %parallel_loop3A_188 : i32
      %parallel_loop3A_302 = arith.index_cast %parallel_loop3A_301 : i32 to index
      %parallel_loop3A_303 = arith.index_cast %parallel_loop3A_299 : i32 to index
      %parallel_loop3A_304 = tpu.vector_load %arg5[%parallel_loop3A_302, %parallel_loop3A_303] {strides = array<i32>} : memref<64x1024xf32, #tpu.memory_space<vmem>>, vector<1x16xf32>,
      %parallel_loop3A_305 = vector.shape_cast %parallel_loop3A_304 : vector<1x16xf32> to vector<16xf32>
      %parallel_loop3A_306 = arith.index_cast %parallel_loop3A_188 : i32 to index
      %parallel_loop3A_307 = arith.index_cast %parallel_loop3A_299 : i32 to index
      %parallel_loop3A_308 = tpu.vector_load %arg7[%parallel_loop3A_306, %parallel_loop3A_307] {strides = array<i32>} : memref<16x1024xf32, #tpu.memory_space<vmem>>, vector<1x16xf32>,
      %parallel_loop3A_309 = vector.shape_cast %parallel_loop3A_308 : vector<1x16xf32> to vector<16xf32>
      %parallel_loop3A_310 = vector.shape_cast %parallel_loop3A_305 : vector<16xf32> to vector<1x16xf32>
      tpu.vector_store %arg7[%parallel_loop3A_306, %parallel_loop3A_307], %parallel_loop3A_310 {add = true, strides = array<i32>} : memref<16x1024xf32, #tpu.memory_space<vmem>>, vector<1x16xf32>,
    } {sc.loop_unroll_factor = 1 : i64, sc.parallel_access}
    %add3A_68 = arith.constant 16 : i32
    %add3A_69 = arith.addi %mul3A_2, %add3A_68 : i32
    %dma_start3A_70 = arith.constant 0 : i32
    %dma_start3A_71 = arith.constant 0 : i32
    %dma_start3A_72 = tpu.memref_slice %arg4[%dma_start3A_70, %add3A_69, %dma_start3A_71] : memref<1x2048x1024xf32, #tpu.memory_space<hbm>> -> memref<1x16x1024xf32, #tpu.memory_space<hbm>>
    %dma_start3A_73 = tpu.memref_squeeze %dma_start3A_72 : memref<1x16x1024xf32, #tpu.memory_space<hbm>> -> memref<16x1024xf32, #tpu.memory_space<hbm>>
    %dma_start3A_74 = arith.constant 0 : i32
    %dma_start3A_75 = tpu.memref_slice %arg4[%dma_start3A_70, %add3A_69, %dma_start3A_74] : memref<1x2048x1024xf32, #tpu.memory_space<hbm>> -> memref<1x16x1024xf32, #tpu.memory_space<hbm>>
    %dma_start3A_76 = tpu.memref_squeeze %dma_start3A_75 : memref<1x16x1024xf32, #tpu.memory_space<hbm>> -> memref<16x1024xf32, #tpu.memory_space<hbm>>
    tpu.enqueue_dma source(%arg7 : memref<16x1024xf32, #tpu.memory_space<vmem>>) target(%dma_start3A_76 : memref<16x1024xf32, #tpu.memory_space<hbm>>) target_semaphore(%arg14 : memref<!tpu.dma_semaphore, #tpu.memory_space<semaphore_mem>>)
    %add3A_77 = arith.constant 0 : i32
    %add3A_78 = arith.addi %mul3A_2, %add3A_77 : i32
    %dma_wait3A_79 = arith.constant 0 : i32
    %dma_wait3A_80 = arith.constant 0 : i32
    %dma_wait3A_81 = tpu.memref_slice %arg4[%dma_wait3A_79, %add3A_78, %dma_wait3A_80] : memref<1x2048x1024xf32, #tpu.memory_space<hbm>> -> memref<1x16x1024xf32, #tpu.memory_space<hbm>>
    %dma_wait3A_82 = tpu.memref_squeeze %dma_wait3A_81 : memref<1x16x1024xf32, #tpu.memory_space<hbm>> -> memref<16x1024xf32, #tpu.memory_space<hbm>>
    %dma_wait3A_83 = arith.constant 0 : i32
    %dma_wait3A_84 = tpu.memref_slice %arg4[%dma_wait3A_79, %add3A_78, %dma_wait3A_83] : memref<1x2048x1024xf32, #tpu.memory_space<hbm>> -> memref<1x16x1024xf32, #tpu.memory_space<hbm>>
    %dma_wait3A_85 = tpu.memref_squeeze %dma_wait3A_84 : memref<1x16x1024xf32, #tpu.memory_space<hbm>> -> memref<16x1024xf32, #tpu.memory_space<hbm>>
    tpu.wait_dma2 semaphore(%arg13 : memref<!tpu.dma_semaphore, #tpu.memory_space<semaphore_mem>>) src(%arg6 : memref<16x1024xf32, #tpu.memory_space<vmem>>) dst(%dma_wait3A_85 : memref<16x1024xf32, #tpu.memory_space<hbm>>)
    %add3A_86 = arith.constant 48 : i32
    %add3A_87 = arith.addi %mul3A_2, %add3A_86 : i32
    %dma_start3A_88 = arith.constant 0 : i32
    %dma_start3A_89 = arith.constant 0 : i32
    %dma_start3A_90 = tpu.memref_slice %arg2[%dma_start3A_88, %add3A_87, %dma_start3A_89] : memref<4x2048x1024xf32, #tpu.memory_space<hbm>> -> memref<1x16x1024xf32, #tpu.memory_space<hbm>>
    %dma_start3A_91 = tpu.memref_squeeze %dma_start3A_90 : memref<1x16x1024xf32, #tpu.memory_space<hbm>> -> memref<16x1024xf32, #tpu.memory_space<hbm>>
    %dma_start3A_92 = arith.constant 0 : i32
    %dma_start3A_93 = tpu.memref_slice %arg2[%dma_start3A_88, %add3A_87, %dma_start3A_92] : memref<4x2048x1024xf32, #tpu.memory_space<hbm>> -> memref<1x16x1024xf32, #tpu.memory_space<hbm>>
    %dma_start3A_94 = tpu.memref_squeeze %dma_start3A_93 : memref<1x16x1024xf32, #tpu.memory_space<hbm>> -> memref<16x1024xf32, #tpu.memory_space<hbm>>
    tpu.enqueue_dma source(%dma_start3A_94 : memref<16x1024xf32, #tpu.memory_space<hbm>>) target(%arg6 : memref<16x1024xf32, #tpu.memory_space<vmem>>) target_semaphore(%arg10 : memref<!tpu.dma_semaphore, #tpu.memory_space<semaphore_mem>>)
    %add3A_95 = arith.constant 32 : i32
    %add3A_96 = arith.addi %mul3A_2, %add3A_95 : i32
    %dma_wait3A_97 = arith.constant 0 : i32
    %dma_wait3A_98 = arith.constant 0 : i32
    %dma_wait3A_99 = tpu.memref_slice %arg2[%dma_wait3A_97, %add3A_96, %dma_wait3A_98] : memref<4x2048x1024xf32, #tpu.memory_space<hbm>> -> memref<1x16x1024xf32, #tpu.memory_space<hbm>>
    %dma_wait3A_100 = tpu.memref_squeeze %dma_wait3A_99 : memref<1x16x1024xf32, #tpu.memory_space<hbm>> -> memref<16x1024xf32, #tpu.memory_space<hbm>>
    %dma_wait3A_101 = arith.constant 0 : i32
    %dma_wait3A_102 = tpu.memref_slice %arg2[%dma_wait3A_97, %add3A_96, %dma_wait3A_101] : memref<4x2048x1024xf32, #tpu.memory_space<hbm>> -> memref<1x16x1024xf32, #tpu.memory_space<hbm>>
    %dma_wait3A_103 = tpu.memref_squeeze %dma_wait3A_102 : memref<1x16x1024xf32, #tpu.memory_space<hbm>> -> memref<16x1024xf32, #tpu.memory_space<hbm>>
    tpu.wait_dma2 semaphore(%arg12 : memref<!tpu.dma_semaphore, #tpu.memory_space<semaphore_mem>>) src(%dma_wait3A_103 : memref<16x1024xf32, #tpu.memory_space<hbm>>) dst(%arg8 : memref<16x1024xf32, #tpu.memory_space<vmem>>)
    %parallel_loop3A_104 = arith.constant 0 : i32
    %parallel_loop3A_105 = arith.constant 128 : i32
    %parallel_loop3A_106 = arith.constant 1 : i32
    scf.for %parallel_loop3A_164 = %parallel_loop3A_104 to %parallel_loop3A_105 step %parallel_loop3A_106  : i32 {
      %parallel_loop3A_165 = arith.constant 8 : i32
      %parallel_loop3A_166 = arith.divsi %parallel_loop3A_164, %parallel_loop3A_165 : i32
      %parallel_loop3A_167 = arith.constant 0 : i32
      %parallel_loop3A_168 = arith.cmpi sgt, %parallel_loop3A_164, %parallel_loop3A_167 : i32
      %parallel_loop3A_169 = arith.extui %parallel_loop3A_168 : i1 to i32
      %parallel_loop3A_170 = arith.constant 0 : i32
      %parallel_loop3A_171 = arith.cmpi slt, %parallel_loop3A_164, %parallel_loop3A_170 : i32
      %parallel_loop3A_172 = arith.extui %parallel_loop3A_171 : i1 to i32
      %parallel_loop3A_173 = arith.subi %parallel_loop3A_169, %parallel_loop3A_172 : i32
      %parallel_loop3A_174 = arith.constant 0 : i32
      %parallel_loop3A_175 = arith.cmpi sgt, %parallel_loop3A_165, %parallel_loop3A_174 : i32
      %parallel_loop3A_176 = arith.extui %parallel_loop3A_175 : i1 to i32
      %parallel_loop3A_177 = arith.constant 0 : i32
      %parallel_loop3A_178 = arith.cmpi slt, %parallel_loop3A_165, %parallel_loop3A_177 : i32
      %parallel_loop3A_179 = arith.extui %parallel_loop3A_178 : i1 to i32
      %parallel_loop3A_180 = arith.subi %parallel_loop3A_176, %parallel_loop3A_179 : i32
      %parallel_loop3A_181 = arith.cmpi ne, %parallel_loop3A_173, %parallel_loop3A_180 : i32
      %parallel_loop3A_182 = arith.remsi %parallel_loop3A_164, %parallel_loop3A_165 : i32
      %parallel_loop3A_183 = arith.constant 0 : i32
      %parallel_loop3A_184 = arith.cmpi ne, %parallel_loop3A_182, %parallel_loop3A_183 : i32
      %parallel_loop3A_185 = arith.andi %parallel_loop3A_181, %parallel_loop3A_184 : i1
      %parallel_loop3A_186 = arith.constant 1 : i32
      %parallel_loop3A_187 = arith.subi %parallel_loop3A_166, %parallel_loop3A_186 : i32
      %parallel_loop3A_188 = arith.select %parallel_loop3A_185, %parallel_loop3A_187, %parallel_loop3A_166 : i32
      %parallel_loop3A_189 = arith.constant 8 : i32
      %parallel_loop3A_190 = arith.constant 0 : i32
      %parallel_loop3A_191 = arith.cmpi eq, %parallel_loop3A_189, %parallel_loop3A_190 : i32
      %parallel_loop3A_192 = arith.constant 1 : i32
      %parallel_loop3A_193 = arith.select %parallel_loop3A_191, %parallel_loop3A_192, %parallel_loop3A_189 : i32
      %parallel_loop3A_194 = arith.remsi %parallel_loop3A_164, %parallel_loop3A_193 : i32
      %parallel_loop3A_195 = arith.constant 0 : i32
      %parallel_loop3A_196 = arith.cmpi ne, %parallel_loop3A_194, %parallel_loop3A_195 : i32
      %parallel_loop3A_197 = arith.constant 0 : i32
      %parallel_loop3A_198 = arith.cmpi slt, %parallel_loop3A_194, %parallel_loop3A_197 : i32
      %parallel_loop3A_199 = arith.constant 0 : i32
      %parallel_loop3A_200 = arith.cmpi slt, %parallel_loop3A_193, %parallel_loop3A_199 : i32
      %parallel_loop3A_201 = arith.xori %parallel_loop3A_198, %parallel_loop3A_200 : i1
      %parallel_loop3A_202 = arith.andi %parallel_loop3A_201, %parallel_loop3A_196 : i1
      %parallel_loop3A_203 = arith.addi %parallel_loop3A_194, %parallel_loop3A_193 : i32
      %parallel_loop3A_204 = arith.select %parallel_loop3A_202, %parallel_loop3A_203, %parallel_loop3A_194 : i32
      %parallel_loop3A_205 = arith.constant 128 : i32
      %parallel_loop3A_206 = arith.muli %parallel_loop3A_204, %parallel_loop3A_205 : i32
      %parallel_loop3A_207 = arith.constant 0 : i32
      %parallel_loop3A_208 = arith.addi %parallel_loop3A_206, %parallel_loop3A_207 : i32
      %parallel_loop3A_209 = arith.constant 32 : i32
      %parallel_loop3A_210 = arith.addi %parallel_loop3A_209, %parallel_loop3A_188 : i32
      %parallel_loop3A_211 = arith.index_cast %parallel_loop3A_210 : i32 to index
      %parallel_loop3A_212 = arith.index_cast %parallel_loop3A_208 : i32 to index
      %parallel_loop3A_213 = tpu.vector_load %arg5[%parallel_loop3A_211, %parallel_loop3A_212] {strides = array<i32>} : memref<64x1024xf32, #tpu.memory_space<vmem>>, vector<1x16xf32>,
      %parallel_loop3A_214 = vector.shape_cast %parallel_loop3A_213 : vector<1x16xf32> to vector<16xf32>
      %parallel_loop3A_215 = arith.index_cast %parallel_loop3A_188 : i32 to index
      %parallel_loop3A_216 = arith.index_cast %parallel_loop3A_208 : i32 to index
      %parallel_loop3A_217 = tpu.vector_load %arg8[%parallel_loop3A_215, %parallel_loop3A_216] {strides = array<i32>} : memref<16x1024xf32, #tpu.memory_space<vmem>>, vector<1x16xf32>,
      %parallel_loop3A_218 = vector.shape_cast %parallel_loop3A_217 : vector<1x16xf32> to vector<16xf32>
      %parallel_loop3A_219 = vector.shape_cast %parallel_loop3A_214 : vector<16xf32> to vector<1x16xf32>
      tpu.vector_store %arg8[%parallel_loop3A_215, %parallel_loop3A_216], %parallel_loop3A_219 {add = true, strides = array<i32>} : memref<16x1024xf32, #tpu.memory_space<vmem>>, vector<1x16xf32>,
      %parallel_loop3A_220 = arith.constant 16 : i32
      %parallel_loop3A_221 = arith.addi %parallel_loop3A_206, %parallel_loop3A_220 : i32
      %parallel_loop3A_222 = arith.constant 32 : i32
      %parallel_loop3A_223 = arith.addi %parallel_loop3A_222, %parallel_loop3A_188 : i32
      %parallel_loop3A_224 = arith.index_cast %parallel_loop3A_223 : i32 to index
      %parallel_loop3A_225 = arith.index_cast %parallel_loop3A_221 : i32 to index
      %parallel_loop3A_226 = tpu.vector_load %arg5[%parallel_loop3A_224, %parallel_loop3A_225] {strides = array<i32>} : memref<64x1024xf32, #tpu.memory_space<vmem>>, vector<1x16xf32>,
      %parallel_loop3A_227 = vector.shape_cast %parallel_loop3A_226 : vector<1x16xf32> to vector<16xf32>
      %parallel_loop3A_228 = arith.index_cast %parallel_loop3A_188 : i32 to index
      %parallel_loop3A_229 = arith.index_cast %parallel_loop3A_221 : i32 to index
      %parallel_loop3A_230 = tpu.vector_load %arg8[%parallel_loop3A_228, %parallel_loop3A_229] {strides = array<i32>} : memref<16x1024xf32, #tpu.memory_space<vmem>>, vector<1x16xf32>,
      %parallel_loop3A_231 = vector.shape_cast %parallel_loop3A_230 : vector<1x16xf32> to vector<16xf32>
      %parallel_loop3A_232 = vector.shape_cast %parallel_loop3A_227 : vector<16xf32> to vector<1x16xf32>
      tpu.vector_store %arg8[%parallel_loop3A_228, %parallel_loop3A_229], %parallel_loop3A_232 {add = true, strides = array<i32>} : memref<16x1024xf32, #tpu.memory_space<vmem>>, vector<1x16xf32>,
      %parallel_loop3A_233 = arith.constant 32 : i32
      %parallel_loop3A_234 = arith.addi %parallel_loop3A_206, %parallel_loop3A_233 : i32
      %parallel_loop3A_235 = arith.constant 32 : i32
      %parallel_loop3A_236 = arith.addi %parallel_loop3A_235, %parallel_loop3A_188 : i32
      %parallel_loop3A_237 = arith.index_cast %parallel_loop3A_236 : i32 to index
      %parallel_loop3A_238 = arith.index_cast %parallel_loop3A_234 : i32 to index
      %parallel_loop3A_239 = tpu.vector_load %arg5[%parallel_loop3A_237, %parallel_loop3A_238] {strides = array<i32>} : memref<64x1024xf32, #tpu.memory_space<vmem>>, vector<1x16xf32>,
      %parallel_loop3A_240 = vector.shape_cast %parallel_loop3A_239 : vector<1x16xf32> to vector<16xf32>
      %parallel_loop3A_241 = arith.index_cast %parallel_loop3A_188 : i32 to index
      %parallel_loop3A_242 = arith.index_cast %parallel_loop3A_234 : i32 to index
      %parallel_loop3A_243 = tpu.vector_load %arg8[%parallel_loop3A_241, %parallel_loop3A_242] {strides = array<i32>} : memref<16x1024xf32, #tpu.memory_space<vmem>>, vector<1x16xf32>,
      %parallel_loop3A_244 = vector.shape_cast %parallel_loop3A_243 : vector<1x16xf32> to vector<16xf32>
      %parallel_loop3A_245 = vector.shape_cast %parallel_loop3A_240 : vector<16xf32> to vector<1x16xf32>
      tpu.vector_store %arg8[%parallel_loop3A_241, %parallel_loop3A_242], %parallel_loop3A_245 {add = true, strides = array<i32>} : memref<16x1024xf32, #tpu.memory_space<vmem>>, vector<1x16xf32>,
      %parallel_loop3A_246 = arith.constant 48 : i32
      %parallel_loop3A_247 = arith.addi %parallel_loop3A_206, %parallel_loop3A_246 : i32
      %parallel_loop3A_248 = arith.constant 32 : i32
      %parallel_loop3A_249 = arith.addi %parallel_loop3A_248, %parallel_loop3A_188 : i32
      %parallel_loop3A_250 = arith.index_cast %parallel_loop3A_249 : i32 to index
      %parallel_loop3A_251 = arith.index_cast %parallel_loop3A_247 : i32 to index
      %parallel_loop3A_252 = tpu.vector_load %arg5[%parallel_loop3A_250, %parallel_loop3A_251] {strides = array<i32>} : memref<64x1024xf32, #tpu.memory_space<vmem>>, vector<1x16xf32>,
      %parallel_loop3A_253 = vector.shape_cast %parallel_loop3A_252 : vector<1x16xf32> to vector<16xf32>
      %parallel_loop3A_254 = arith.index_cast %parallel_loop3A_188 : i32 to index
      %parallel_loop3A_255 = arith.index_cast %parallel_loop3A_247 : i32 to index
      %parallel_loop3A_256 = tpu.vector_load %arg8[%parallel_loop3A_254, %parallel_loop3A_255] {strides = array<i32>} : memref<16x1024xf32, #tpu.memory_space<vmem>>, vector<1x16xf32>,
      %parallel_loop3A_257 = vector.shape_cast %parallel_loop3A_256 : vector<1x16xf32> to vector<16xf32>
      %parallel_loop3A_258 = vector.shape_cast %parallel_loop3A_253 : vector<16xf32> to vector<1x16xf32>
      tpu.vector_store %arg8[%parallel_loop3A_254, %parallel_loop3A_255], %parallel_loop3A_258 {add = true, strides = array<i32>} : memref<16x1024xf32, #tpu.memory_space<vmem>>, vector<1x16xf32>,
      %parallel_loop3A_259 = arith.constant 64 : i32
      %parallel_loop3A_260 = arith.addi %parallel_loop3A_206, %parallel_loop3A_259 : i32
      %parallel_loop3A_261 = arith.constant 32 : i32
      %parallel_loop3A_262 = arith.addi %parallel_loop3A_261, %parallel_loop3A_188 : i32
      %parallel_loop3A_263 = arith.index_cast %parallel_loop3A_262 : i32 to index
      %parallel_loop3A_264 = arith.index_cast %parallel_loop3A_260 : i32 to index
      %parallel_loop3A_265 = tpu.vector_load %arg5[%parallel_loop3A_263, %parallel_loop3A_264] {strides = array<i32>} : memref<64x1024xf32, #tpu.memory_space<vmem>>, vector<1x16xf32>,
      %parallel_loop3A_266 = vector.shape_cast %parallel_loop3A_265 : vector<1x16xf32> to vector<16xf32>
      %parallel_loop3A_267 = arith.index_cast %parallel_loop3A_188 : i32 to index
      %parallel_loop3A_268 = arith.index_cast %parallel_loop3A_260 : i32 to index
      %parallel_loop3A_269 = tpu.vector_load %arg8[%parallel_loop3A_267, %parallel_loop3A_268] {strides = array<i32>} : memref<16x1024xf32, #tpu.memory_space<vmem>>, vector<1x16xf32>,
      %parallel_loop3A_270 = vector.shape_cast %parallel_loop3A_269 : vector<1x16xf32> to vector<16xf32>
      %parallel_loop3A_271 = vector.shape_cast %parallel_loop3A_266 : vector<16xf32> to vector<1x16xf32>
      tpu.vector_store %arg8[%parallel_loop3A_267, %parallel_loop3A_268], %parallel_loop3A_271 {add = true, strides = array<i32>} : memref<16x1024xf32, #tpu.memory_space<vmem>>, vector<1x16xf32>,
      %parallel_loop3A_272 = arith.constant 80 : i32
      %parallel_loop3A_273 = arith.addi %parallel_loop3A_206, %parallel_loop3A_272 : i32
      %parallel_loop3A_274 = arith.constant 32 : i32
      %parallel_loop3A_275 = arith.addi %parallel_loop3A_274, %parallel_loop3A_188 : i32
      %parallel_loop3A_276 = arith.index_cast %parallel_loop3A_275 : i32 to index
      %parallel_loop3A_277 = arith.index_cast %parallel_loop3A_273 : i32 to index
      %parallel_loop3A_278 = tpu.vector_load %arg5[%parallel_loop3A_276, %parallel_loop3A_277] {strides = array<i32>} : memref<64x1024xf32, #tpu.memory_space<vmem>>, vector<1x16xf32>,
      %parallel_loop3A_279 = vector.shape_cast %parallel_loop3A_278 : vector<1x16xf32> to vector<16xf32>
      %parallel_loop3A_280 = arith.index_cast %parallel_loop3A_188 : i32 to index
      %parallel_loop3A_281 = arith.index_cast %parallel_loop3A_273 : i32 to index
      %parallel_loop3A_282 = tpu.vector_load %arg8[%parallel_loop3A_280, %parallel_loop3A_281] {strides = array<i32>} : memref<16x1024xf32, #tpu.memory_space<vmem>>, vector<1x16xf32>,
      %parallel_loop3A_283 = vector.shape_cast %parallel_loop3A_282 : vector<1x16xf32> to vector<16xf32>
      %parallel_loop3A_284 = vector.shape_cast %parallel_loop3A_279 : vector<16xf32> to vector<1x16xf32>
      tpu.vector_store %arg8[%parallel_loop3A_280, %parallel_loop3A_281], %parallel_loop3A_284 {add = true, strides = array<i32>} : memref<16x1024xf32, #tpu.memory_space<vmem>>, vector<1x16xf32>,
      %parallel_loop3A_285 = arith.constant 96 : i32
      %parallel_loop3A_286 = arith.addi %parallel_loop3A_206, %parallel_loop3A_285 : i32
      %parallel_loop3A_287 = arith.constant 32 : i32
      %parallel_loop3A_288 = arith.addi %parallel_loop3A_287, %parallel_loop3A_188 : i32
      %parallel_loop3A_289 = arith.index_cast %parallel_loop3A_288 : i32 to index
      %parallel_loop3A_290 = arith.index_cast %parallel_loop3A_286 : i32 to index
      %parallel_loop3A_291 = tpu.vector_load %arg5[%parallel_loop3A_289, %parallel_loop3A_290] {strides = array<i32>} : memref<64x1024xf32, #tpu.memory_space<vmem>>, vector<1x16xf32>,
      %parallel_loop3A_292 = vector.shape_cast %parallel_loop3A_291 : vector<1x16xf32> to vector<16xf32>
      %parallel_loop3A_293 = arith.index_cast %parallel_loop3A_188 : i32 to index
      %parallel_loop3A_294 = arith.index_cast %parallel_loop3A_286 : i32 to index
      %parallel_loop3A_295 = tpu.vector_load %arg8[%parallel_loop3A_293, %parallel_loop3A_294] {strides = array<i32>} : memref<16x1024xf32, #tpu.memory_space<vmem>>, vector<1x16xf32>,
      %parallel_loop3A_296 = vector.shape_cast %parallel_loop3A_295 : vector<1x16xf32> to vector<16xf32>
      %parallel_loop3A_297 = vector.shape_cast %parallel_loop3A_292 : vector<16xf32> to vector<1x16xf32>
      tpu.vector_store %arg8[%parallel_loop3A_293, %parallel_loop3A_294], %parallel_loop3A_297 {add = true, strides = array<i32>} : memref<16x1024xf32, #tpu.memory_space<vmem>>, vector<1x16xf32>,
      %parallel_loop3A_298 = arith.constant 112 : i32
      %parallel_loop3A_299 = arith.addi %parallel_loop3A_206, %parallel_loop3A_298 : i32
      %parallel_loop3A_300 = arith.constant 32 : i32
      %parallel_loop3A_301 = arith.addi %parallel_loop3A_300, %parallel_loop3A_188 : i32
      %parallel_loop3A_302 = arith.index_cast %parallel_loop3A_301 : i32 to index
      %parallel_loop3A_303 = arith.index_cast %parallel_loop3A_299 : i32 to index
      %parallel_loop3A_304 = tpu.vector_load %arg5[%parallel_loop3A_302, %parallel_loop3A_303] {strides = array<i32>} : memref<64x1024xf32, #tpu.memory_space<vmem>>, vector<1x16xf32>,
      %parallel_loop3A_305 = vector.shape_cast %parallel_loop3A_304 : vector<1x16xf32> to vector<16xf32>
      %parallel_loop3A_306 = arith.index_cast %parallel_loop3A_188 : i32 to index
      %parallel_loop3A_307 = arith.index_cast %parallel_loop3A_299 : i32 to index
      %parallel_loop3A_308 = tpu.vector_load %arg8[%parallel_loop3A_306, %parallel_loop3A_307] {strides = array<i32>} : memref<16x1024xf32, #tpu.memory_space<vmem>>, vector<1x16xf32>,
      %parallel_loop3A_309 = vector.shape_cast %parallel_loop3A_308 : vector<1x16xf32> to vector<16xf32>
      %parallel_loop3A_310 = vector.shape_cast %parallel_loop3A_305 : vector<16xf32> to vector<1x16xf32>
      tpu.vector_store %arg8[%parallel_loop3A_306, %parallel_loop3A_307], %parallel_loop3A_310 {add = true, strides = array<i32>} : memref<16x1024xf32, #tpu.memory_space<vmem>>, vector<1x16xf32>,
    } {sc.loop_unroll_factor = 1 : i64, sc.parallel_access}
    %add3A_107 = arith.constant 32 : i32
    %add3A_108 = arith.addi %mul3A_2, %add3A_107 : i32
    %dma_start3A_109 = arith.constant 0 : i32
    %dma_start3A_110 = arith.constant 0 : i32
    %dma_start3A_111 = tpu.memref_slice %arg4[%dma_start3A_109, %add3A_108, %dma_start3A_110] : memref<1x2048x1024xf32, #tpu.memory_space<hbm>> -> memref<1x16x1024xf32, #tpu.memory_space<hbm>>
    %dma_start3A_112 = tpu.memref_squeeze %dma_start3A_111 : memref<1x16x1024xf32, #tpu.memory_space<hbm>> -> memref<16x1024xf32, #tpu.memory_space<hbm>>
    %dma_start3A_113 = arith.constant 0 : i32
    %dma_start3A_114 = tpu.memref_slice %arg4[%dma_start3A_109, %add3A_108, %dma_start3A_113] : memref<1x2048x1024xf32, #tpu.memory_space<hbm>> -> memref<1x16x1024xf32, #tpu.memory_space<hbm>>
    %dma_start3A_115 = tpu.memref_squeeze %dma_start3A_114 : memref<1x16x1024xf32, #tpu.memory_space<hbm>> -> memref<16x1024xf32, #tpu.memory_space<hbm>>
    tpu.enqueue_dma source(%arg8 : memref<16x1024xf32, #tpu.memory_space<vmem>>) target(%dma_start3A_115 : memref<16x1024xf32, #tpu.memory_space<hbm>>) target_semaphore(%arg15 : memref<!tpu.dma_semaphore, #tpu.memory_space<semaphore_mem>>)
    %add3A_116 = arith.constant 16 : i32
    %add3A_117 = arith.addi %mul3A_2, %add3A_116 : i32
    %dma_wait3A_118 = arith.constant 0 : i32
    %dma_wait3A_119 = arith.constant 0 : i32
    %dma_wait3A_120 = tpu.memref_slice %arg4[%dma_wait3A_118, %add3A_117, %dma_wait3A_119] : memref<1x2048x1024xf32, #tpu.memory_space<hbm>> -> memref<1x16x1024xf32, #tpu.memory_space<hbm>>
    %dma_wait3A_121 = tpu.memref_squeeze %dma_wait3A_120 : memref<1x16x1024xf32, #tpu.memory_space<hbm>> -> memref<16x1024xf32, #tpu.memory_space<hbm>>
    %dma_wait3A_122 = arith.constant 0 : i32
    %dma_wait3A_123 = tpu.memref_slice %arg4[%dma_wait3A_118, %add3A_117, %dma_wait3A_122] : memref<1x2048x1024xf32, #tpu.memory_space<hbm>> -> memref<1x16x1024xf32, #tpu.memory_space<hbm>>
    %dma_wait3A_124 = tpu.memref_squeeze %dma_wait3A_123 : memref<1x16x1024xf32, #tpu.memory_space<hbm>> -> memref<16x1024xf32, #tpu.memory_space<hbm>>
    tpu.wait_dma2 semaphore(%arg14 : memref<!tpu.dma_semaphore, #tpu.memory_space<semaphore_mem>>) src(%arg7 : memref<16x1024xf32, #tpu.memory_space<vmem>>) dst(%dma_wait3A_124 : memref<16x1024xf32, #tpu.memory_space<hbm>>)
    %add3A_125 = arith.constant 48 : i32
    %add3A_126 = arith.addi %mul3A_2, %add3A_125 : i32
    %dma_wait3A_127 = arith.constant 0 : i32
    %dma_wait3A_128 = arith.constant 0 : i32
    %dma_wait3A_129 = tpu.memref_slice %arg2[%dma_wait3A_127, %add3A_126, %dma_wait3A_128] : memref<4x2048x1024xf32, #tpu.memory_space<hbm>> -> memref<1x16x1024xf32, #tpu.memory_space<hbm>>
    %dma_wait3A_130 = tpu.memref_squeeze %dma_wait3A_129 : memref<1x16x1024xf32, #tpu.memory_space<hbm>> -> memref<16x1024xf32, #tpu.memory_space<hbm>>
    %dma_wait3A_131 = arith.constant 0 : i32
    %dma_wait3A_132 = tpu.memref_slice %arg2[%dma_wait3A_127, %add3A_126, %dma_wait3A_131] : memref<4x2048x1024xf32, #tpu.memory_space<hbm>> -> memref<1x16x1024xf32, #tpu.memory_space<hbm>>
    %dma_wait3A_133 = tpu.memref_squeeze %dma_wait3A_132 : memref<1x16x1024xf32, #tpu.memory_space<hbm>> -> memref<16x1024xf32, #tpu.memory_space<hbm>>
    tpu.wait_dma2 semaphore(%arg10 : memref<!tpu.dma_semaphore, #tpu.memory_space<semaphore_mem>>) src(%dma_wait3A_133 : memref<16x1024xf32, #tpu.memory_space<hbm>>) dst(%arg6 : memref<16x1024xf32, #tpu.memory_space<vmem>>)
    %parallel_loop3A_134 = arith.constant 0 : i32
    %parallel_loop3A_135 = arith.constant 128 : i32
    %parallel_loop3A_136 = arith.constant 1 : i32
    scf.for %parallel_loop3A_164 = %parallel_loop3A_134 to %parallel_loop3A_135 step %parallel_loop3A_136  : i32 {
      %parallel_loop3A_165 = arith.constant 8 : i32
      %parallel_loop3A_166 = arith.divsi %parallel_loop3A_164, %parallel_loop3A_165 : i32
      %parallel_loop3A_167 = arith.constant 0 : i32
      %parallel_loop3A_168 = arith.cmpi sgt, %parallel_loop3A_164, %parallel_loop3A_167 : i32
      %parallel_loop3A_169 = arith.extui %parallel_loop3A_168 : i1 to i32
      %parallel_loop3A_170 = arith.constant 0 : i32
      %parallel_loop3A_171 = arith.cmpi slt, %parallel_loop3A_164, %parallel_loop3A_170 : i32
      %parallel_loop3A_172 = arith.extui %parallel_loop3A_171 : i1 to i32
      %parallel_loop3A_173 = arith.subi %parallel_loop3A_169, %parallel_loop3A_172 : i32
      %parallel_loop3A_174 = arith.constant 0 : i32
      %parallel_loop3A_175 = arith.cmpi sgt, %parallel_loop3A_165, %parallel_loop3A_174 : i32
      %parallel_loop3A_176 = arith.extui %parallel_loop3A_175 : i1 to i32
      %parallel_loop3A_177 = arith.constant 0 : i32
      %parallel_loop3A_178 = arith.cmpi slt, %parallel_loop3A_165, %parallel_loop3A_177 : i32
      %parallel_loop3A_179 = arith.extui %parallel_loop3A_178 : i1 to i32
      %parallel_loop3A_180 = arith.subi %parallel_loop3A_176, %parallel_loop3A_179 : i32
      %parallel_loop3A_181 = arith.cmpi ne, %parallel_loop3A_173, %parallel_loop3A_180 : i32
      %parallel_loop3A_182 = arith.remsi %parallel_loop3A_164, %parallel_loop3A_165 : i32
      %parallel_loop3A_183 = arith.constant 0 : i32
      %parallel_loop3A_184 = arith.cmpi ne, %parallel_loop3A_182, %parallel_loop3A_183 : i32
      %parallel_loop3A_185 = arith.andi %parallel_loop3A_181, %parallel_loop3A_184 : i1
      %parallel_loop3A_186 = arith.constant 1 : i32
      %parallel_loop3A_187 = arith.subi %parallel_loop3A_166, %parallel_loop3A_186 : i32
      %parallel_loop3A_188 = arith.select %parallel_loop3A_185, %parallel_loop3A_187, %parallel_loop3A_166 : i32
      %parallel_loop3A_189 = arith.constant 8 : i32
      %parallel_loop3A_190 = arith.constant 0 : i32
      %parallel_loop3A_191 = arith.cmpi eq, %parallel_loop3A_189, %parallel_loop3A_190 : i32
      %parallel_loop3A_192 = arith.constant 1 : i32
      %parallel_loop3A_193 = arith.select %parallel_loop3A_191, %parallel_loop3A_192, %parallel_loop3A_189 : i32
      %parallel_loop3A_194 = arith.remsi %parallel_loop3A_164, %parallel_loop3A_193 : i32
      %parallel_loop3A_195 = arith.constant 0 : i32
      %parallel_loop3A_196 = arith.cmpi ne, %parallel_loop3A_194, %parallel_loop3A_195 : i32
      %parallel_loop3A_197 = arith.constant 0 : i32
      %parallel_loop3A_198 = arith.cmpi slt, %parallel_loop3A_194, %parallel_loop3A_197 : i32
      %parallel_loop3A_199 = arith.constant 0 : i32
      %parallel_loop3A_200 = arith.cmpi slt, %parallel_loop3A_193, %parallel_loop3A_199 : i32
      %parallel_loop3A_201 = arith.xori %parallel_loop3A_198, %parallel_loop3A_200 : i1
      %parallel_loop3A_202 = arith.andi %parallel_loop3A_201, %parallel_loop3A_196 : i1
      %parallel_loop3A_203 = arith.addi %parallel_loop3A_194, %parallel_loop3A_193 : i32
      %parallel_loop3A_204 = arith.select %parallel_loop3A_202, %parallel_loop3A_203, %parallel_loop3A_194 : i32
      %parallel_loop3A_205 = arith.constant 128 : i32
      %parallel_loop3A_206 = arith.muli %parallel_loop3A_204, %parallel_loop3A_205 : i32
      %parallel_loop3A_207 = arith.constant 0 : i32
      %parallel_loop3A_208 = arith.addi %parallel_loop3A_206, %parallel_loop3A_207 : i32
      %parallel_loop3A_209 = arith.constant 48 : i32
      %parallel_loop3A_210 = arith.addi %parallel_loop3A_209, %parallel_loop3A_188 : i32
      %parallel_loop3A_211 = arith.index_cast %parallel_loop3A_210 : i32 to index
      %parallel_loop3A_212 = arith.index_cast %parallel_loop3A_208 : i32 to index
      %parallel_loop3A_213 = tpu.vector_load %arg5[%parallel_loop3A_211, %parallel_loop3A_212] {strides = array<i32>} : memref<64x1024xf32, #tpu.memory_space<vmem>>, vector<1x16xf32>,
      %parallel_loop3A_214 = vector.shape_cast %parallel_loop3A_213 : vector<1x16xf32> to vector<16xf32>
      %parallel_loop3A_215 = arith.index_cast %parallel_loop3A_188 : i32 to index
      %parallel_loop3A_216 = arith.index_cast %parallel_loop3A_208 : i32 to index
      %parallel_loop3A_217 = tpu.vector_load %arg6[%parallel_loop3A_215, %parallel_loop3A_216] {strides = array<i32>} : memref<16x1024xf32, #tpu.memory_space<vmem>>, vector<1x16xf32>,
      %parallel_loop3A_218 = vector.shape_cast %parallel_loop3A_217 : vector<1x16xf32> to vector<16xf32>
      %parallel_loop3A_219 = vector.shape_cast %parallel_loop3A_214 : vector<16xf32> to vector<1x16xf32>
      tpu.vector_store %arg6[%parallel_loop3A_215, %parallel_loop3A_216], %parallel_loop3A_219 {add = true, strides = array<i32>} : memref<16x1024xf32, #tpu.memory_space<vmem>>, vector<1x16xf32>,
      %parallel_loop3A_220 = arith.constant 16 : i32
      %parallel_loop3A_221 = arith.addi %parallel_loop3A_206, %parallel_loop3A_220 : i32
      %parallel_loop3A_222 = arith.constant 48 : i32
      %parallel_loop3A_223 = arith.addi %parallel_loop3A_222, %parallel_loop3A_188 : i32
      %parallel_loop3A_224 = arith.index_cast %parallel_loop3A_223 : i32 to index
      %parallel_loop3A_225 = arith.index_cast %parallel_loop3A_221 : i32 to index
      %parallel_loop3A_226 = tpu.vector_load %arg5[%parallel_loop3A_224, %parallel_loop3A_225] {strides = array<i32>} : memref<64x1024xf32, #tpu.memory_space<vmem>>, vector<1x16xf32>,
      %parallel_loop3A_227 = vector.shape_cast %parallel_loop3A_226 : vector<1x16xf32> to vector<16xf32>
      %parallel_loop3A_228 = arith.index_cast %parallel_loop3A_188 : i32 to index
      %parallel_loop3A_229 = arith.index_cast %parallel_loop3A_221 : i32 to index
      %parallel_loop3A_230 = tpu.vector_load %arg6[%parallel_loop3A_228, %parallel_loop3A_229] {strides = array<i32>} : memref<16x1024xf32, #tpu.memory_space<vmem>>, vector<1x16xf32>,
      %parallel_loop3A_231 = vector.shape_cast %parallel_loop3A_230 : vector<1x16xf32> to vector<16xf32>
      %parallel_loop3A_232 = vector.shape_cast %parallel_loop3A_227 : vector<16xf32> to vector<1x16xf32>
      tpu.vector_store %arg6[%parallel_loop3A_228, %parallel_loop3A_229], %parallel_loop3A_232 {add = true, strides = array<i32>} : memref<16x1024xf32, #tpu.memory_space<vmem>>, vector<1x16xf32>,
      %parallel_loop3A_233 = arith.constant 32 : i32
      %parallel_loop3A_234 = arith.addi %parallel_loop3A_206, %parallel_loop3A_233 : i32
      %parallel_loop3A_235 = arith.constant 48 : i32
      %parallel_loop3A_236 = arith.addi %parallel_loop3A_235, %parallel_loop3A_188 : i32
      %parallel_loop3A_237 = arith.index_cast %parallel_loop3A_236 : i32 to index
      %parallel_loop3A_238 = arith.index_cast %parallel_loop3A_234 : i32 to index
      %parallel_loop3A_239 = tpu.vector_load %arg5[%parallel_loop3A_237, %parallel_loop3A_238] {strides = array<i32>} : memref<64x1024xf32, #tpu.memory_space<vmem>>, vector<1x16xf32>,
      %parallel_loop3A_240 = vector.shape_cast %parallel_loop3A_239 : vector<1x16xf32> to vector<16xf32>
      %parallel_loop3A_241 = arith.index_cast %parallel_loop3A_188 : i32 to index
      %parallel_loop3A_242 = arith.index_cast %parallel_loop3A_234 : i32 to index
      %parallel_loop3A_243 = tpu.vector_load %arg6[%parallel_loop3A_241, %parallel_loop3A_242] {strides = array<i32>} : memref<16x1024xf32, #tpu.memory_space<vmem>>, vector<1x16xf32>,
      %parallel_loop3A_244 = vector.shape_cast %parallel_loop3A_243 : vector<1x16xf32> to vector<16xf32>
      %parallel_loop3A_245 = vector.shape_cast %parallel_loop3A_240 : vector<16xf32> to vector<1x16xf32>
      tpu.vector_store %arg6[%parallel_loop3A_241, %parallel_loop3A_242], %parallel_loop3A_245 {add = true, strides = array<i32>} : memref<16x1024xf32, #tpu.memory_space<vmem>>, vector<1x16xf32>,
      %parallel_loop3A_246 = arith.constant 48 : i32
      %parallel_loop3A_247 = arith.addi %parallel_loop3A_206, %parallel_loop3A_246 : i32
      %parallel_loop3A_248 = arith.constant 48 : i32
      %parallel_loop3A_249 = arith.addi %parallel_loop3A_248, %parallel_loop3A_188 : i32
      %parallel_loop3A_250 = arith.index_cast %parallel_loop3A_249 : i32 to index
      %parallel_loop3A_251 = arith.index_cast %parallel_loop3A_247 : i32 to index
      %parallel_loop3A_252 = tpu.vector_load %arg5[%parallel_loop3A_250, %parallel_loop3A_251] {strides = array<i32>} : memref<64x1024xf32, #tpu.memory_space<vmem>>, vector<1x16xf32>,
      %parallel_loop3A_253 = vector.shape_cast %parallel_loop3A_252 : vector<1x16xf32> to vector<16xf32>
      %parallel_loop3A_254 = arith.index_cast %parallel_loop3A_188 : i32 to index
      %parallel_loop3A_255 = arith.index_cast %parallel_loop3A_247 : i32 to index
      %parallel_loop3A_256 = tpu.vector_load %arg6[%parallel_loop3A_254, %parallel_loop3A_255] {strides = array<i32>} : memref<16x1024xf32, #tpu.memory_space<vmem>>, vector<1x16xf32>,
      %parallel_loop3A_257 = vector.shape_cast %parallel_loop3A_256 : vector<1x16xf32> to vector<16xf32>
      %parallel_loop3A_258 = vector.shape_cast %parallel_loop3A_253 : vector<16xf32> to vector<1x16xf32>
      tpu.vector_store %arg6[%parallel_loop3A_254, %parallel_loop3A_255], %parallel_loop3A_258 {add = true, strides = array<i32>} : memref<16x1024xf32, #tpu.memory_space<vmem>>, vector<1x16xf32>,
      %parallel_loop3A_259 = arith.constant 64 : i32
      %parallel_loop3A_260 = arith.addi %parallel_loop3A_206, %parallel_loop3A_259 : i32
      %parallel_loop3A_261 = arith.constant 48 : i32
      %parallel_loop3A_262 = arith.addi %parallel_loop3A_261, %parallel_loop3A_188 : i32
      %parallel_loop3A_263 = arith.index_cast %parallel_loop3A_262 : i32 to index
      %parallel_loop3A_264 = arith.index_cast %parallel_loop3A_260 : i32 to index
      %parallel_loop3A_265 = tpu.vector_load %arg5[%parallel_loop3A_263, %parallel_loop3A_264] {strides = array<i32>} : memref<64x1024xf32, #tpu.memory_space<vmem>>, vector<1x16xf32>,
      %parallel_loop3A_266 = vector.shape_cast %parallel_loop3A_265 : vector<1x16xf32> to vector<16xf32>
      %parallel_loop3A_267 = arith.index_cast %parallel_loop3A_188 : i32 to index
      %parallel_loop3A_268 = arith.index_cast %parallel_loop3A_260 : i32 to index
      %parallel_loop3A_269 = tpu.vector_load %arg6[%parallel_loop3A_267, %parallel_loop3A_268] {strides = array<i32>} : memref<16x1024xf32, #tpu.memory_space<vmem>>, vector<1x16xf32>,
      %parallel_loop3A_270 = vector.shape_cast %parallel_loop3A_269 : vector<1x16xf32> to vector<16xf32>
      %parallel_loop3A_271 = vector.shape_cast %parallel_loop3A_266 : vector<16xf32> to vector<1x16xf32>
      tpu.vector_store %arg6[%parallel_loop3A_267, %parallel_loop3A_268], %parallel_loop3A_271 {add = true, strides = array<i32>} : memref<16x1024xf32, #tpu.memory_space<vmem>>, vector<1x16xf32>,
      %parallel_loop3A_272 = arith.constant 80 : i32
      %parallel_loop3A_273 = arith.addi %parallel_loop3A_206, %parallel_loop3A_272 : i32
      %parallel_loop3A_274 = arith.constant 48 : i32
      %parallel_loop3A_275 = arith.addi %parallel_loop3A_274, %parallel_loop3A_188 : i32
      %parallel_loop3A_276 = arith.index_cast %parallel_loop3A_275 : i32 to index
      %parallel_loop3A_277 = arith.index_cast %parallel_loop3A_273 : i32 to index
      %parallel_loop3A_278 = tpu.vector_load %arg5[%parallel_loop3A_276, %parallel_loop3A_277] {strides = array<i32>} : memref<64x1024xf32, #tpu.memory_space<vmem>>, vector<1x16xf32>,
      %parallel_loop3A_279 = vector.shape_cast %parallel_loop3A_278 : vector<1x16xf32> to vector<16xf32>
      %parallel_loop3A_280 = arith.index_cast %parallel_loop3A_188 : i32 to index
      %parallel_loop3A_281 = arith.index_cast %parallel_loop3A_273 : i32 to index
      %parallel_loop3A_282 = tpu.vector_load %arg6[%parallel_loop3A_280, %parallel_loop3A_281] {strides = array<i32>} : memref<16x1024xf32, #tpu.memory_space<vmem>>, vector<1x16xf32>,
      %parallel_loop3A_283 = vector.shape_cast %parallel_loop3A_282 : vector<1x16xf32> to vector<16xf32>
      %parallel_loop3A_284 = vector.shape_cast %parallel_loop3A_279 : vector<16xf32> to vector<1x16xf32>
      tpu.vector_store %arg6[%parallel_loop3A_280, %parallel_loop3A_281], %parallel_loop3A_284 {add = true, strides = array<i32>} : memref<16x1024xf32, #tpu.memory_space<vmem>>, vector<1x16xf32>,
      %parallel_loop3A_285 = arith.constant 96 : i32
      %parallel_loop3A_286 = arith.addi %parallel_loop3A_206, %parallel_loop3A_285 : i32
      %parallel_loop3A_287 = arith.constant 48 : i32
      %parallel_loop3A_288 = arith.addi %parallel_loop3A_287, %parallel_loop3A_188 : i32
      %parallel_loop3A_289 = arith.index_cast %parallel_loop3A_288 : i32 to index
      %parallel_loop3A_290 = arith.index_cast %parallel_loop3A_286 : i32 to index
      %parallel_loop3A_291 = tpu.vector_load %arg5[%parallel_loop3A_289, %parallel_loop3A_290] {strides = array<i32>} : memref<64x1024xf32, #tpu.memory_space<vmem>>, vector<1x16xf32>,
      %parallel_loop3A_292 = vector.shape_cast %parallel_loop3A_291 : vector<1x16xf32> to vector<16xf32>
      %parallel_loop3A_293 = arith.index_cast %parallel_loop3A_188 : i32 to index
      %parallel_loop3A_294 = arith.index_cast %parallel_loop3A_286 : i32 to index
      %parallel_loop3A_295 = tpu.vector_load %arg6[%parallel_loop3A_293, %parallel_loop3A_294] {strides = array<i32>} : memref<16x1024xf32, #tpu.memory_space<vmem>>, vector<1x16xf32>,
      %parallel_loop3A_296 = vector.shape_cast %parallel_loop3A_295 : vector<1x16xf32> to vector<16xf32>
      %parallel_loop3A_297 = vector.shape_cast %parallel_loop3A_292 : vector<16xf32> to vector<1x16xf32>
      tpu.vector_store %arg6[%parallel_loop3A_293, %parallel_loop3A_294], %parallel_loop3A_297 {add = true, strides = array<i32>} : memref<16x1024xf32, #tpu.memory_space<vmem>>, vector<1x16xf32>,
      %parallel_loop3A_298 = arith.constant 112 : i32
      %parallel_loop3A_299 = arith.addi %parallel_loop3A_206, %parallel_loop3A_298 : i32
      %parallel_loop3A_300 = arith.constant 48 : i32
      %parallel_loop3A_301 = arith.addi %parallel_loop3A_300, %parallel_loop3A_188 : i32
      %parallel_loop3A_302 = arith.index_cast %parallel_loop3A_301 : i32 to index
      %parallel_loop3A_303 = arith.index_cast %parallel_loop3A_299 : i32 to index
      %parallel_loop3A_304 = tpu.vector_load %arg5[%parallel_loop3A_302, %parallel_loop3A_303] {strides = array<i32>} : memref<64x1024xf32, #tpu.memory_space<vmem>>, vector<1x16xf32>,
      %parallel_loop3A_305 = vector.shape_cast %parallel_loop3A_304 : vector<1x16xf32> to vector<16xf32>
      %parallel_loop3A_306 = arith.index_cast %parallel_loop3A_188 : i32 to index
      %parallel_loop3A_307 = arith.index_cast %parallel_loop3A_299 : i32 to index
      %parallel_loop3A_308 = tpu.vector_load %arg6[%parallel_loop3A_306, %parallel_loop3A_307] {strides = array<i32>} : memref<16x1024xf32, #tpu.memory_space<vmem>>, vector<1x16xf32>,
      %parallel_loop3A_309 = vector.shape_cast %parallel_loop3A_308 : vector<1x16xf32> to vector<16xf32>
      %parallel_loop3A_310 = vector.shape_cast %parallel_loop3A_305 : vector<16xf32> to vector<1x16xf32>
      tpu.vector_store %arg6[%parallel_loop3A_306, %parallel_loop3A_307], %parallel_loop3A_310 {add = true, strides = array<i32>} : memref<16x1024xf32, #tpu.memory_space<vmem>>, vector<1x16xf32>,
    } {sc.loop_unroll_factor = 1 : i64, sc.parallel_access}
    %add3A_137 = arith.constant 48 : i32
    %add3A_138 = arith.addi %mul3A_2, %add3A_137 : i32
    %dma_start3A_139 = arith.constant 0 : i32
    %dma_start3A_140 = arith.constant 0 : i32
    %dma_start3A_141 = tpu.memref_slice %arg4[%dma_start3A_139, %add3A_138, %dma_start3A_140] : memref<1x2048x1024xf32, #tpu.memory_space<hbm>> -> memref<1x16x1024xf32, #tpu.memory_space<hbm>>
    %dma_start3A_142 = tpu.memref_squeeze %dma_start3A_141 : memref<1x16x1024xf32, #tpu.memory_space<hbm>> -> memref<16x1024xf32, #tpu.memory_space<hbm>>
    %dma_start3A_143 = arith.constant 0 : i32
    %dma_start3A_144 = tpu.memref_slice %arg4[%dma_start3A_139, %add3A_138, %dma_start3A_143] : memref<1x2048x1024xf32, #tpu.memory_space<hbm>> -> memref<1x16x1024xf32, #tpu.memory_space<hbm>>
    %dma_start3A_145 = tpu.memref_squeeze %dma_start3A_144 : memref<1x16x1024xf32, #tpu.memory_space<hbm>> -> memref<16x1024xf32, #tpu.memory_space<hbm>>
    tpu.enqueue_dma source(%arg6 : memref<16x1024xf32, #tpu.memory_space<vmem>>) target(%dma_start3A_145 : memref<16x1024xf32, #tpu.memory_space<hbm>>) target_semaphore(%arg13 : memref<!tpu.dma_semaphore, #tpu.memory_space<semaphore_mem>>)
    %add3A_146 = arith.constant 32 : i32
    %add3A_147 = arith.addi %mul3A_2, %add3A_146 : i32
    %dma_wait3A_148 = arith.constant 0 : i32
    %dma_wait3A_149 = arith.constant 0 : i32
    %dma_wait3A_150 = tpu.memref_slice %arg4[%dma_wait3A_148, %add3A_147, %dma_wait3A_149] : memref<1x2048x1024xf32, #tpu.memory_space<hbm>> -> memref<1x16x1024xf32, #tpu.memory_space<hbm>>
    %dma_wait3A_151 = tpu.memref_squeeze %dma_wait3A_150 : memref<1x16x1024xf32, #tpu.memory_space<hbm>> -> memref<16x1024xf32, #tpu.memory_space<hbm>>
    %dma_wait3A_152 = arith.constant 0 : i32
    %dma_wait3A_153 = tpu.memref_slice %arg4[%dma_wait3A_148, %add3A_147, %dma_wait3A_152] : memref<1x2048x1024xf32, #tpu.memory_space<hbm>> -> memref<1x16x1024xf32, #tpu.memory_space<hbm>>
    %dma_wait3A_154 = tpu.memref_squeeze %dma_wait3A_153 : memref<1x16x1024xf32, #tpu.memory_space<hbm>> -> memref<16x1024xf32, #tpu.memory_space<hbm>>
    tpu.wait_dma2 semaphore(%arg15 : memref<!tpu.dma_semaphore, #tpu.memory_space<semaphore_mem>>) src(%arg8 : memref<16x1024xf32, #tpu.memory_space<vmem>>) dst(%dma_wait3A_154 : memref<16x1024xf32, #tpu.memory_space<hbm>>)
    %add3A_155 = arith.constant 48 : i32
    %add3A_156 = arith.addi %mul3A_2, %add3A_155 : i32
    %dma_wait3A_157 = arith.constant 0 : i32
    %dma_wait3A_158 = arith.constant 0 : i32
    %dma_wait3A_159 = tpu.memref_slice %arg4[%dma_wait3A_157, %add3A_156, %dma_wait3A_158] : memref<1x2048x1024xf32, #tpu.memory_space<hbm>> -> memref<1x16x1024xf32, #tpu.memory_space<hbm>>
    %dma_wait3A_160 = tpu.memref_squeeze %dma_wait3A_159 : memref<1x16x1024xf32, #tpu.memory_space<hbm>> -> memref<16x1024xf32, #tpu.memory_space<hbm>>
    %dma_wait3A_161 = arith.constant 0 : i32
    %dma_wait3A_162 = tpu.memref_slice %arg4[%dma_wait3A_157, %add3A_156, %dma_wait3A_161] : memref<1x2048x1024xf32, #tpu.memory_space<hbm>> -> memref<1x16x1024xf32, #tpu.memory_space<hbm>>
    %dma_wait3A_163 = tpu.memref_squeeze %dma_wait3A_162 : memref<1x16x1024xf32, #tpu.memory_space<hbm>> -> memref<16x1024xf32, #tpu.memory_space<hbm>>
    tpu.wait_dma2 semaphore(%arg13 : memref<!tpu.dma_semaphore, #tpu.memory_space<semaphore_mem>>) src(%arg6 : memref<16x1024xf32, #tpu.memory_space<vmem>>) dst(%dma_wait3A_163 : memref<16x1024xf32, #tpu.memory_space<hbm>>)
    return
  }
}

module attributes {stable_mosaic.version = 14 : i64} {
  func.func @_add_body(%arg0: i32, %arg1: i32, %arg2: memref<1x2048x1024xf32, #tpu.memory_space<vmem>>, %arg3: memref<2048x1024xf32, #tpu.memory_space<vmem>>, %arg4: memref<1x2048x1024xf32, #tpu.memory_space<vmem>>) attributes {dimension_semantics = [#tpu.dimension_semantics<arbitrary>, #tpu.dimension_semantics<arbitrary>], iteration_bounds = array<i64: 1, 3>, scalar_prefetch = 0 : i64, scratch_operands = 0 : i64, tpu.core_type = #tpu.core_type<tc>, window_params = [{transform_indices = @transform_0, window_bounds = array<i64: 1, 2048, 1024>}, {transform_indices = @transform_1, window_bounds = array<i64: 2048, 1024>}, {transform_indices = @transform_2, window_bounds = array<i64: 1, 2048, 1024>}]} {
    %get3A = arith.constant 0 : index
    %get3A_0 = arith.constant 0 : index
    %get3A_1 = arith.constant 0 : index
    %get3A_2 = vector.load %arg2[%get3A, %get3A_0, %get3A_1] : memref<1x2048x1024xf32, #tpu.memory_space<vmem>>, vector<1x2048x1024xf32>
    %get3A_3 = arith.constant 0 : index
    %get3A_4 = arith.constant 0 : index
    %get3A_5 = vector.load %arg3[%get3A_3, %get3A_4] : memref<2048x1024xf32, #tpu.memory_space<vmem>>, vector<2048x1024xf32>
    %broadcast_in_dim3A = vector.shape_cast %get3A_5 : vector<2048x1024xf32> to vector<1x2048x1024xf32>
    %add3A = arith.addf %get3A_2, %broadcast_in_dim3A : vector<1x2048x1024xf32>
    %swap3A = arith.constant 0 : index
    %swap3A_6 = arith.constant 0 : index
    %swap3A_7 = arith.constant 0 : index
    %swap3A_8 = vector.load %arg4[%swap3A, %swap3A_6, %swap3A_7] : memref<1x2048x1024xf32, #tpu.memory_space<vmem>>, vector<1x2048x1024xf32>
    tpu.vector_store %arg4[%swap3A, %swap3A_6, %swap3A_7], %add3A {strides = array<i32>} : memref<1x2048x1024xf32, #tpu.memory_space<vmem>>, vector<1x2048x1024xf32>,
    return
  }
  func.func @transform_0(%arg0: i32, %arg1: i32) -> (i32, i32, i32) {
    %add3A = arith.constant 1 : i32
    %add3A_0 = arith.addi %arg1, %add3A : i32
    %c0_i32 = arith.constant 0 : i32
    %c0_i32_1 = arith.constant 0 : i32
    return %add3A_0, %arg0, %c0_i32 : i32, i32, i32
  }
  func.func @transform_1(%arg0: i32, %arg1: i32) -> (i32, i32) {
    %c0_i32 = arith.constant 0 : i32
    %c0_i32_0 = arith.constant 0 : i32
    return %arg0, %c0_i32 : i32, i32
  }
  func.func @transform_2(%arg0: i32, %arg1: i32) -> (i32, i32, i32) {
    %c0_i32 = arith.constant 0 : i32
    %c0_i32_0 = arith.constant 0 : i32
    return %arg1, %arg0, %c0_i32 : i32, i32, i32
  }
}

</mosaic_0001>

<sc_bundles>
// kernel: kernel.4.cloned.1.call-start
scs
__scs_entry_jumppad:
0x0: {  	(pc) =	sbr.rel $0x88, $3  }
0x1: {  	(tag) =	ssettag $0x0;
	lr =	simm.s32 $0x1  }
0x2: {  	[smem:$0x3F9F] =	sst lr;
	_ =	strace $0xD0000000  }
0x3: {  	_ = 	snop  }
0x4: {  	_ = 	snop  }
0x5: {  	_ = 	snop  }
0x6: {  	_ = 	snop  }
0x7: {  	_ = 	snop  }
__scs_overlays_trampoline_lowered:
0x8: {  	[smem:$0x3FAE] =	sst s0  }
0x9: {  	[smem:$0x3FAF] =	sst s1  }
0xa: {  	[smem:$0x3FB0] =	sst s2  }
0xb: {  	[smem:$0x3FB1] =	sst s3  }
0xc: {  	[smem:$0x3FB2] =	sst s4  }
0xd: {  	[smem:$0x3FB3] =	sst s5  }
0xe: {  	[smem:$0x3FB4] =	sst s6  }
0xf: {  	[smem:$0x3FB5] =	sst s7  }
0x10: {  	[smem:$0x3FB6] =	sst s8  }
0x11: {  	[smem:$0x3FB7] =	sst s9;
	s0 =	simm.s32 @!p0 $0x0  }
0x12: {  	s1 =	sld [smem:$0x3F9D];
	s0 =	simm.s32 @p0 $0x1  }
0x13: {  	[smem:$0x3FB8] =	sst s0;
	s0 =	simm.s32 @!p1 $0x0  }
0x14: {  	s2 =	sld [smem:$0x3F9C];
	s0 =	simm.s32 @p1 $0x1  }
0x15: {  	[smem:$0x3FB9] =	sst s0;
	s0 =	simm.s32 @!p2 $0x0  }
0x16: {  	s3 =	sld [smem:$0x3FDB];
	s0 =	simm.s32 @p2 $0x1  }
0x17: {  	s4 =	simm.s32 $0x1BF5;
	[smem:$0x3FBB] =	sst s0  }
0x18: {  	s0 =	sld [smem:$0x3F9E];
	_ =	swait.ge [sflag:s4], $0x0  }
0x19: {  	s7 =	sld [smem:$0x3F9F]  }
0x1a: {  	s8 =	sadd.s32 $0xFFFFE003, lr  }
0x1b: {  	s9 =	sadd.s32 $0xFFFFFEF7, lr;
	s5 =	simm.s32 $0xFFFFFFFF;
	p2 =	slt.u32 s8, $0xFFFFF086  }
0x1c: {  	p1 =	slt.u32 s9, $0xF7A;
	s5 =	simm.s32 @!p2 $0x0  }
0x1d: {  	s5 =	simm.s32 @p1 $0x1;
	p0 =	seq.s32 s7, s2  }
0x1e: {  	s7 =	smul.u32 @!p0 $0xF7A, s2;
	p2 =	seq.s32 @!p0 s5, $0x0  }
0x1f: {  	s9 =	smul.u32 $0xF7A, s1;
	s8 =	simm.s32 @!p0 $0x1BF5;
	p2 =	por !p2, p0  }
0x20: {  	[sflag:s8] =	ssyncset.s32 @!p0 $0xFFFFF086;
	s6 =	sadd.s32 @!p0 s3, s7;
	s7 =	simm.s32 @!p0 $0x108  }
0x21: {  	s3 =	sadd.s32 s3, s9;
	s6 =	sadd.s32 @!p0 $0x88, s6;
	s7 =	simm.s32 @p2 $0x1082  }
0x22: {  	[simem:s7], [sflag:s8] =	dma.local @!p0 [hbm:s6], $0xF7A  }
0x23: {  	s9 =	sor.u32 $0xD0000000, s2;
	s6 =	simm.s32 $0x108;
	_ =	swait.ge @!p0 [sflag:s8], $0x0  }
0x24: {  	s3 =	sadd.s32 $0x88, s3;
	s6 =	simm.s32 @!p1 $0x1082;
	[sflag:s4] =	ssyncset.s32 $0xFFFFF086  }
0x25: {  	[simem:s6], [sflag:s4] =	dma.local [hbm:s3], $0xF7A  }
0x26: {  	[smem:$0x3F9F] =	sst s1;
	(tag) =	ssettag s2;
	_ =	strace s9  }
0x27: {  	s1 =	sld [smem:$0x3FAF]  }
0x28: {  	s2 =	sld [smem:$0x3FB0]  }
0x29: {  	s4 =	sld [smem:$0x3FB2]  }
0x2a: {  	p0 =	seq.s32 s5, $0x0;
	s5 =	sld [smem:$0x3FB3]  }
0x2b: {  	s6 =	sld [smem:$0x3FB4]  }
0x2c: {  	s7 =	sld [smem:$0x3FB5]  }
0x2d: {  	s3 =	simm.s32 $0x108;
	s8 =	sld [smem:$0x3FB6]  }
0x2e: {  	s3 =	simm.s32 @!p0 $0x1082;
	s9 =	sld [smem:$0x3FB7]  }
0x2f: {  	lr =	sadd.s32 s0, s3;
	s0 =	sld [smem:$0x3FAE]  }
0x30: {  	s3 =	sld [smem:$0x3FB1]  }
0x31: {  	[smem:$0x3FBA] =	sst s10  }
0x32: {  	s10 =	sld [smem:$0x3FB8];
	_ =	sdelay $0x3  }
0x33: {  	p0 =	seq.s32 s10, $0x1;
	s10 =	sld [smem:$0x3FBA];
	_ =	sdelay $0x3  }
0x34: {  	[smem:$0x3FBA] =	sst s10  }
0x35: {  	s10 =	sld [smem:$0x3FB9];
	_ =	sdelay $0x3  }
0x36: {  	p1 =	seq.s32 s10, $0x1;
	s10 =	sld [smem:$0x3FBA];
	_ =	sdelay $0x3  }
0x37: {  	[smem:$0x3FBA] =	sst s10  }
0x38: {  	s10 =	sld [smem:$0x3FBB]  }
0x39: {  	_ = 	snop;
	(pc) =	sbr.ind lr, $3  }
0x3a: {  	_ = 	snop  }
0x3b: {  	_ = 	snop  }
0x3c: {  	p2 =	seq.s32 s10, $0x1;
	s10 =	sld [smem:$0x3FBA]  }
0x3d: {  	_ =	shalt  }
0x3e: {  	_ =	shalt  }
0x3f: {  	_ =	shalt  }
0x40: {  	_ =	shalt  }
0x41: {  	_ =	shalt  }
0x42: {  	_ =	shalt  }
0x43: {  	_ =	shalt  }
0x44: {  	_ =	shalt  }
0x45: {  	_ =	shalt  }
0x46: {  	_ =	shalt  }
0x47: {  	_ =	shalt  }
0x48: {  	_ =	shalt  }
0x49: {  	_ =	shalt  }
0x4a: {  	_ =	shalt  }
0x4b: {  	_ =	shalt  }
0x4c: {  	_ =	shalt  }
0x4d: {  	_ =	shalt  }
0x4e: {  	_ =	shalt  }
0x4f: {  	_ =	shalt  }
0x50: {  	_ =	shalt  }
0x51: {  	_ =	shalt  }
0x52: {  	_ =	shalt  }
0x53: {  	_ =	shalt  }
0x54: {  	_ =	shalt  }
0x55: {  	_ =	shalt  }
0x56: {  	_ =	shalt  }
0x57: {  	_ =	shalt  }
0x58: {  	_ =	shalt  }
0x59: {  	_ =	shalt  }
0x5a: {  	_ =	shalt  }
0x5b: {  	_ =	shalt  }
0x5c: {  	_ =	shalt  }
0x5d: {  	_ =	shalt  }
0x5e: {  	_ =	shalt  }
0x5f: {  	_ =	shalt  }
0x60: {  	_ =	shalt  }
0x61: {  	_ =	shalt  }
0x62: {  	_ =	shalt  }
0x63: {  	_ =	shalt  }
0x64: {  	_ =	shalt  }
0x65: {  	_ =	shalt  }
0x66: {  	_ =	shalt  }
0x67: {  	_ =	shalt  }
0x68: {  	_ =	shalt  }
0x69: {  	_ =	shalt  }
0x6a: {  	_ =	shalt  }
0x6b: {  	_ =	shalt  }
0x6c: {  	_ =	shalt  }
0x6d: {  	_ =	shalt  }
0x6e: {  	_ =	shalt  }
0x6f: {  	_ =	shalt  }
0x70: {  	_ =	shalt  }
0x71: {  	_ =	shalt  }
0x72: {  	_ =	shalt  }
0x73: {  	_ =	shalt  }
0x74: {  	_ =	shalt  }
0x75: {  	_ =	shalt  }
0x76: {  	_ =	shalt  }
0x77: {  	_ =	shalt  }
0x78: {  	_ =	shalt  }
0x79: {  	_ =	shalt  }
0x7a: {  	_ =	shalt  }
0x7b: {  	_ =	shalt  }
0x7c: {  	_ =	shalt  }
0x7d: {  	_ =	shalt  }
0x7e: {  	_ =	shalt  }
0x7f: {  	_ =	shalt  }
0x80: {  	_ =	shalt  }
0x81: {  	_ =	shalt  }
0x82: {  	_ =	shalt  }
0x83: {  	_ =	shalt  }
0x84: {  	_ =	shalt  }
0x85: {  	_ =	shalt  }
0x86: {  	_ =	shalt  }
0x87: {  	_ =	shalt  }
.Lfunc_end0:
.L_simem_size_0:
called_computation_lowered:
.L_overlay_start_0:
0x88: {  	s2 =	sld [smem:$0x3FD9]  }
0x89: {  	s3 =	sld [smem:$0x3FFE];
	_ =	sdelay $0x1  }
0x8a: {  	s1 =	srdreg.scid  }
0x8b: {  	s0 =	sand.u32 $0x1, s1  }
0x8c: {  	s17 =	sshll.u32 s0, $0xA;
	s2 =	sadd.s32 s3, s2  }
0x8d: {  	s2 =	sadd.s32 s2, s17  }
0x8e: {  	[smem:$0x3FC6] =	sst s2  }
0x8f: {  	_ = 	snop  }
0x90: {  	s2 =	sld [smem:$0x3FC9]  }
0x91: {  	s18 =	sld [smem:$0x3FC8];
	(tm) =	ssettm $0x1  }
0x92: {  	s4 =	sld [smem:$0x3FFB];
	_ =	sdelay $0x3  }
0x93: {  	_ =	strace s4  }
0x94: {  	s4 =	sld [smem:$0x3FFC];
	_ =	sdelay $0x3  }
0x95: {  	_ =	strace s4  }
0x96: {  	s4 =	sld [smem:$0x3FFD];
	_ =	sdelay $0x3  }
0x97: {  	_ =	strace s4  }
0x98: {  	_ =	strace $0x8FFFFFFF  }
0x99: {  	s19 =	sld [smem:$0x3FDB];
	_ =	sdelay $0x1  }
0x9a: {  	s5 =	simm.s32 $_scs_section_size  }
0x9b: {  	s6 =	simm.s32 $_size__tile_overlayer_lowered;
	s7 =	simm.s32 $_tile_overlayer_lowered  }
0x9c: {  	s22 =	simm.s32 $0x1BFF;
	s21 =	sshll.u32 s7, $0x1;
	s4 =	sadd.s32 s5, s19  }
0x9d: {  	s8 =	simm.s32 $0x0;
	s20 =	sshll.u32 s6, $0x1;
	s6 =	sadd.s32 s21, s4  }
0x9e: {  	[timem:s8], [sflag:s22] =	dma.local [hbm:s6], s20  }
0x9f: {  	_ =	swait.ge [sflag:s22], s20  }
0xa0: {  	s5 =	ssub.s32 $0x0, s20;
	[sflag:s22] =	ssyncset.done $0x0  }
0xa1: {  	[sflag:s22] =	ssyncadd.s32 s5;
	_ =	sdelay $0x1  }
0xa2: {  	s23 =	simm.s32 $0x1B8B  }
0xa3: {  	_ =	swait.ge [sflag:s23], $0x1  }
0xa4: {  	[sflag:s23] =	ssyncset.done $0x0  }
0xa5: {  	s25 =	simm.s32 $0x1B8E;
	s24 =	sld [smem:$0x3FFE];
	[sflag:s23] =	ssyncadd.s32 $0xFFFFFFFF  }
0xa6: {  	s26 =	simm.s32 $execute0_lowered;
	[smem:$0x3FD2] =	sst s25  }
0xa7: {  	s6 =	sshll.u32 s26, $0x1;
	_ =	strace $0x80000046;
	[dreg:$0x1] =	wrdreg $0xFFFFFFFF  }
0xa8: {  	s28 =	simm.s32 $_size_execute0_lowered;
	s4 =	sadd.s32 s4, s6;
	[dreg:$0x0] =	wrdreg $0x0  }
0xa9: {  	s6 =	sshll.u32 s28, $0x1;
	[dreg:$0x2] =	wrdreg s4  }
0xaa: {  	[dreg:$0x3] =	wrdreg s6  }
0xab: {  	[dreg:$0x4] =	wrdreg $0xC0  }
0xac: {  	_ =	task [dreg:s8], $0x5FFFF  }
0xad: {  	[dreg:$0x1] =	wrdreg $0xFFFFFFFF  }
0xae: {  	[dreg:$0x0] =	wrdreg $0x60  }
0xaf: {  	[dreg:$0x2] =	wrdreg s2  }
0xb0: {  	[dreg:$0x3] =	wrdreg s18  }
0xb1: {  	[dreg:$0x4] =	wrdreg s24  }
0xb2: {  	[dreg:$0x5] =	wrdreg $0x9  }
0xb3: {  	_ =	task.clear_ibuf [dreg:s8], $0x6FFFF;
	_ =	strace $0x90000046  }
0xb4: {  	s29 =	simm.s32 $0x9;
	_ =	strace $0x80000048  }
0xb5: {  	_ =	swait.ge [sflag:s29], $0x1  }
0xb6: {  	[sflag:s29] =	ssyncadd.s32 $0xFFFFFFFF  }
0xb7: {  	_ =	strace $0x90000048  }
0xb8: {  	_ =	sfence  }
0xb9: {  	s30 =	sld [smem:$0x0];
	_ =	sdelay $0x2  }
0xba: {  	s31 =	sshll.u32 s1, $0xD;
	s1 =	sshrl.u32 s1, $0x2  }
0xbb: {  	s3 =	sand.u32 $0x4000, s31;
	s1 =	sadd.s32 s1, s30  }
0xbc: {  	s0 =	sor.u32 s3, s0;
	s1 =	sshll.u32 s1, $0x11  }
0xbd: {  	s0 =	sor.u32 s1, s0  }
0xbe: {  	s0 =	sadd.s32 $0x8F2B, s0  }
0xbf: {  	[sflag:s0] =	ssyncadd.remote.s32 $0x1  }
0xc0: {  	_ =	sfence.sel $0xFFFF  }
0xc1: {  	[dreg:$0x0] =	wrdreg $0xFFFFFFFF;
	(pc) =	sbr.abs _section_cstart, $3  }
0xc2: {  	[dreg:$0x1] =	wrdreg $0xFFFFFFFF  }
0xc3: {  	_ =	task.clear_ibuf [dreg:s8], $0x2FFFF;
	_ =	strace $0x9FFFFFFF  }
0xc4: {  	(tm) =	ssettm $0x7FFFFFFF  }
0xc5: {  	_ =	shalt  }
tec
execute0_lowered:
.L_overlay_start_1:
0x0: {  	(tag) =	ssettag $0x1  }
0x1: {  	s0 =	rddreg [dreg:$0x0]  }
0x2: {  	s3 =	rddreg [dreg:$0x1]  }
0x3: {  	s4 =	rddreg [dreg:$0x2];
	s1 =	simm.s32 $0x0  }
0x4: {  	s2 =	srdreg.scid;
	s31 =	stileid.u32;
	s14 =	simm.s32 $0x1  }
0x5: {  	s15 =	simm.s32 $0x14000;
	s16 =	simm.s32 $0x2;
	s17 =	simm.s32 $0x18000  }
0x6: {  	s18 =	simm.s32 $0x3;
	s19 =	simm.s32 $0x5;
	s20 =	simm.s32 $0x4  }
0x7: {  	s21 =	simm.s32 $0x6;
	s22 =	simm.s32 $0x7;
	s23 =	simm.s32 $0x0  }
0x8: {  	[smem:$0x7FF] =	sst s1;
	s5 =	sand.u32 $0x1, s2;
	s8 =	sshll.u32 s31, $0xE  }
0x9: {  	s11 =	sadd.s32 $0x600, s4;
	s6 =	ssub.s32 $0x2, s5;
	s5 =	sshll.u32 s5, $0xD  }
0xa: {  	_ =	strace $0x80000047;
	s7 =	sshrl.u32 s6, $0x1;
	s9 =	sor.u32 s5, s8  }
0xb: {  	s12 =	ssub.s32 s6, s7;
	s3 =	sadd.s32 s3, s9;
	s4 =	sadd.s32 s0, s9  }
0xc: {  	s8 =	sor.u32 $0x800, s9;
	s6 =	sadd.s32 s11, s9;
	s10 =	sor.u32 $0x1000, s9  }
0xd: {  	s13 =	sor.u32 $0x1800, s9;
	s5 =	sadd.s32 s0, s8;
	s7 =	sadd.s32 s0, s10  }
0xe: {  	s8 =	sadd.s32 s11, s8;
	s9 =	sadd.s32 s0, s13;
	s10 =	sadd.s32 s11, s10  }
0xf: {  	s11 =	sadd.s32 s11, s13;
	s12 =	smax.u32 s12, $0x1;
	s13 =	simm.s32 $0x10000  }
.LBB2_1:
0x10: {  	[tilespmem:s1], [sflag:$0x1] =	stream.linear.gather [hbm4b:s3+s1], $0x10000, $0x38;
	[tilespmem:$0x1C000] =	vst v63  }
0x11: {  	_ = 	snop  }
0x12: {  	[tilespmem:s13], [sflag:$0x2] =	stream.linear.gather [hbm4b:s4+s1], $0x4000, $0x38;
	[tilespmem:$0x1C000] =	vst v63  }
0x13: {  	_ =	swait.ge [sflag:s14], $0x10000  }
0x14: {  	[sflag:s14] =	ssyncset.done $0x0  }
0x15: {  	s0 =	simm.s32 $0x0;
	s24 =	simm.s32 $0x0;
	[sflag:s14] =	ssyncadd.s32 $0xFFFF0000  }
0x16: {  	[tilespmem:s15], [sflag:$0x3] =	stream.linear.gather [hbm4b:s5+s1], $0x4000, $0x38;
	[tilespmem:$0x1C000] =	vst v63  }
0x17: {  	s25 =	sand.u32 $0x1C00, s1;
	s0 =	sand.u32 $0x2000, s0;
	_ =	swait.ge [sflag:s16], $0x4000  }
0x18: {  	s24 =	sand.u32 $0x380, s24;
	s0 =	sor.u32 s25, s0;
	[sflag:s16] =	ssyncset.done $0x0  }
0x19: {  	s24 =	sor.u32 s24, s0;
	[sflag:s16] =	ssyncadd.s32 $0xFFFFC000  }
0x1a: {  	v0 =	vld [tilespmem:s24+$0x0];
	_ =	sdelay $0x3  }
0x1b: {  	s0 =	sor.u32 $0x10000, s24  }
0x1c: {  	[tilespmem:s0+$0x0] =	vst.add.f32.msk $0xffff, v0  }
0x1d: {  	v0 =	vld [tilespmem:s24+$0x10];
	_ =	sdelay $0x3  }
0x1e: {  	s2 =	sor.u32 $0x10010, s24  }
0x1f: {  	[tilespmem:s2+$0x0] =	vst.add.f32.msk $0xffff, v0  }
0x20: {  	s25 =	simm.s32 $0x400;
	s2 =	simm.s32 $0x80;
	v0 =	vld [tilespmem:s24+$0x20]  }
0x21: {  	s26 =	simm.s32 $0x10;
	s0 =	sand.u32 $0x1C00, s25;
	s25 =	sand.u32 $0x2000, s2  }
0x22: {  	s2 =	sand.u32 $0x380, s26;
	s0 =	sor.u32 s0, s25  }
0x23: {  	s25 =	sor.u32 s2, s0  }
0x24: {  	s26 =	sor.u32 $0x10020, s24;
	v1 =	vld [tilespmem:s25+$0x0]  }
0x25: {  	[tilespmem:s26+$0x0] =	vst.add.f32.msk $0xffff, v0  }
0x26: {  	v0 =	vld [tilespmem:s24+$0x30];
	_ =	sdelay $0x1  }
0x27: {  	s2 =	sor.u32 $0x10000, s25  }
0x28: {  	[tilespmem:s2+$0x0] =	vst.add.f32.msk $0xffff, v1  }
0x29: {  	s26 =	sor.u32 $0x10030, s24;
	v1 =	vld [tilespmem:s25+$0x10]  }
0x2a: {  	[tilespmem:s26+$0x0] =	vst.add.f32.msk $0xffff, v0  }
0x2b: {  	v0 =	vld [tilespmem:s24+$0x40];
	_ =	sdelay $0x1  }
0x2c: {  	s2 =	sor.u32 $0x10010, s25  }
0x2d: {  	[tilespmem:s2+$0x0] =	vst.add.f32.msk $0xffff, v1  }
0x2e: {  	s28 =	sor.u32 $0x10040, s24;
	s26 =	simm.s32 $0x800;
	s2 =	simm.s32 $0x100;
	v1 =	vld [tilespmem:s25+$0x20]  }
0x2f: {  	s29 =	simm.s32 $0x20;
	s0 =	sand.u32 $0x1C00, s26;
	s26 =	sand.u32 $0x2000, s2;
	[tilespmem:s28+$0x0] =	vst.add.f32.msk $0xffff, v0  }
0x30: {  	s2 =	sand.u32 $0x380, s29;
	s0 =	sor.u32 s0, s26;
	v0 =	vld [tilespmem:s24+$0x50]  }
0x31: {  	s26 =	sor.u32 s2, s0  }
0x32: {  	s2 =	sor.u32 $0x10020, s25;
	v2 =	vld [tilespmem:s26+$0x0]  }
0x33: {  	[tilespmem:s2+$0x0] =	vst.add.f32.msk $0xffff, v1  }
0x34: {  	s2 =	sor.u32 $0x10050, s24;
	v1 =	vld [tilespmem:s25+$0x30]  }
0x35: {  	[tilespmem:s2+$0x0] =	vst.add.f32.msk $0xffff, v0  }
0x36: {  	s2 =	sor.u32 $0x10000, s26;
	v0 =	vld [tilespmem:s24+$0x60]  }
0x37: {  	[tilespmem:s2+$0x0] =	vst.add.f32.msk $0xffff, v2  }
0x38: {  	s2 =	sor.u32 $0x10030, s25;
	v2 =	vld [tilespmem:s26+$0x10]  }
0x39: {  	[tilespmem:s2+$0x0] =	vst.add.f32.msk $0xffff, v1  }
0x3a: {  	s2 =	sor.u32 $0x10060, s24;
	v1 =	vld [tilespmem:s25+$0x40]  }
0x3b: {  	[tilespmem:s2+$0x0] =	vst.add.f32.msk $0xffff, v0  }
0x3c: {  	s2 =	sor.u32 $0x10010, s26;
	v0 =	vld [tilespmem:s24+$0x70]  }
0x3d: {  	s31 =	simm.s32 $0x30;
	s30 =	sor.u32 $0x10040, s25;
	[tilespmem:s2+$0x0] =	vst.add.f32.msk $0xffff, v2  }
0x3e: {  	s29 =	simm.s32 $0x4;
	s28 =	simm.s32 $0xC00;
	s0 =	simm.s32 $0x180;
	v2 =	vld [tilespmem:s26+$0x20]  }
.LBB2_2:
0x3f: {  	p0 =	sne.s32 s29, $0x7F;
	s2 =	sand.u32 $0x1C00, s28;
	s0 =	sand.u32 $0x2000, s0;
	[tilespmem:s30+$0x0] =	vst.add.f32.msk $0xffff, v1  }
0x40: {  	s24 =	sor.u32 $0x10070, s24;
	s0 =	sor.u32 s2, s0;
	s2 =	sand.u32 $0x380, s31;
	v1 =	vld [tilespmem:s25+$0x50]  }
0x41: {  	[tilespmem:s24+$0x0] =	vst.add.f32.msk $0xffff, v0;
	s24 =	smov.u32 s25;
	s25 =	smov.u32 s26;
	s26 =	sor.u32 s2, s0  }
0x42: {  	v0 =	vld [tilespmem:s26+$0x0];
	s0 =	sor.u32 $0x10020, s25  }
0x43: {  	[tilespmem:s0+$0x0] =	vst.add.f32.msk $0xffff, v2  }
0x44: {  	s0 =	sor.u32 $0x10050, s24;
	v2 =	vld [tilespmem:s25+$0x30]  }
0x45: {  	[tilespmem:s0+$0x0] =	vst.add.f32.msk $0xffff, v1  }
0x46: {  	s0 =	sor.u32 $0x10000, s26;
	v3 =	vld [tilespmem:s24+$0x60]  }
0x47: {  	[tilespmem:s0+$0x0] =	vst.add.f32.msk $0xffff, v0  }
0x48: {  	s0 =	sor.u32 $0x10030, s25;
	v4 =	vld [tilespmem:s26+$0x10]  }
0x49: {  	[tilespmem:s0+$0x0] =	vst.add.f32.msk $0xffff, v2  }
.Ltmp0:
0x4a: {  	s0 =	sor.u32 $0x10060, s24;
	v1 =	vld [tilespmem:s25+$0x40];
	(pc) =	sbr.rel @p0 .LBB2_2-.Ltmp0, $4  }
0x4b: {  	[tilespmem:s0+$0x0] =	vst.add.f32.msk $0xffff, v3  }
0x4c: {  	s0 =	sor.u32 $0x10010, s26;
	v0 =	vld [tilespmem:s24+$0x70]  }
0x4d: {  	s28 =	sadd.s32 $0x400, s28;
	s31 =	sshll.u32 s29, $0x4;
	[tilespmem:s0+$0x0] =	vst.add.f32.msk $0xffff, v4  }
0x4e: {  	s30 =	sor.u32 $0x10040, s25;
	s0 =	sshll.u32 s29, $0x7;
	s29 =	sadd.s32 $0x1, s29;
	v2 =	vld [tilespmem:s26+$0x20]  }
0x4f: {  	s2 =	sand.u32 $0x1C00, s28;
	s0 =	sand.u32 $0x2000, s0  }
0x50: {  	s0 =	sor.u32 s2, s0;
	s2 =	sand.u32 $0x380, s31  }
0x51: {  	s0 =	sor.u32 s2, s0  }
0x52: {  	v3 =	vld [tilespmem:s0+$0x0];
	_ =	sdelay $0x3  }
0x53: {  	s2 =	sor.u32 $0x10000, s0  }
0x54: {  	[tilespmem:s2+$0x0] =	vst.add.f32.msk $0xffff, v3  }
0x55: {  	v3 =	vld [tilespmem:s0+$0x10];
	_ =	sdelay $0x3  }
0x56: {  	s2 =	sor.u32 $0x10010, s0  }
0x57: {  	[tilespmem:s2+$0x0] =	vst.add.f32.msk $0xffff, v3  }
0x58: {  	v3 =	vld [tilespmem:s0+$0x20];
	_ =	sdelay $0x1  }
0x59: {  	s2 =	sor.u32 $0x10020, s26  }
0x5a: {  	[tilespmem:s2+$0x0] =	vst.add.f32.msk $0xffff, v2  }
0x5b: {  	s2 =	sor.u32 $0x10020, s0;
	v2 =	vld [tilespmem:s26+$0x30]  }
0x5c: {  	[tilespmem:s2+$0x0] =	vst.add.f32.msk $0xffff, v3  }
0x5d: {  	v3 =	vld [tilespmem:s0+$0x30];
	_ =	sdelay $0x1  }
0x5e: {  	s2 =	sor.u32 $0x10030, s26  }
0x5f: {  	[tilespmem:s2+$0x0] =	vst.add.f32.msk $0xffff, v2  }
0x60: {  	s2 =	sor.u32 $0x10030, s0;
	v2 =	vld [tilespmem:s26+$0x40]  }
0x61: {  	[tilespmem:s2+$0x0] =	vst.add.f32.msk $0xffff, v3  }
0x62: {  	v3 =	vld [tilespmem:s0+$0x40]  }
0x63: {  	[tilespmem:s30+$0x0] =	vst.add.f32.msk $0xffff, v1  }
0x64: {  	v1 =	vld [tilespmem:s25+$0x50];
	s2 =	sor.u32 $0x10040, s26  }
0x65: {  	[tilespmem:s2+$0x0] =	vst.add.f32.msk $0xffff, v2  }
0x66: {  	s2 =	sor.u32 $0x10040, s0;
	v2 =	vld [tilespmem:s26+$0x50]  }
0x67: {  	[tilespmem:s2+$0x0] =	vst.add.f32.msk $0xffff, v3  }
0x68: {  	s2 =	sor.u32 $0x10050, s25;
	v3 =	vld [tilespmem:s0+$0x50]  }
0x69: {  	[tilespmem:s2+$0x0] =	vst.add.f32.msk $0xffff, v1  }
0x6a: {  	s2 =	sor.u32 $0x10050, s26;
	v1 =	vld [tilespmem:s25+$0x60]  }
0x6b: {  	[tilespmem:s2+$0x0] =	vst.add.f32.msk $0xffff, v2  }
0x6c: {  	s2 =	sor.u32 $0x10050, s0;
	v2 =	vld [tilespmem:s26+$0x60]  }
0x6d: {  	[tilespmem:s2+$0x0] =	vst.add.f32.msk $0xffff, v3  }
0x6e: {  	s2 =	sor.u32 $0x10060, s25;
	v3 =	vld [tilespmem:s0+$0x60]  }
0x6f: {  	[tilespmem:s2+$0x0] =	vst.add.f32.msk $0xffff, v1  }
0x70: {  	s2 =	sor.u32 $0x10060, s26;
	v1 =	vld [tilespmem:s25+$0x70]  }
0x71: {  	[tilespmem:s2+$0x0] =	vst.add.f32.msk $0xffff, v2  }
0x72: {  	s2 =	sor.u32 $0x10060, s0;
	v2 =	vld [tilespmem:s26+$0x70]  }
0x73: {  	[tilespmem:s2+$0x0] =	vst.add.f32.msk $0xffff, v3  }
0x74: {  	v3 =	vld [tilespmem:s0+$0x70]  }
0x75: {  	s24 =	sor.u32 $0x10070, s24  }
0x76: {  	[tilespmem:s24+$0x0] =	vst.add.f32.msk $0xffff, v0;
	s25 =	sor.u32 $0x10070, s25  }
0x77: {  	s26 =	sor.u32 $0x10070, s26;
	[tilespmem:s25+$0x0] =	vst.add.f32.msk $0xffff, v1  }
0x78: {  	s0 =	sor.u32 $0x10070, s0;
	[tilespmem:s26+$0x0] =	vst.add.f32.msk $0xffff, v2  }
0x79: {  	s2 =	simm.s32 $0x0;
	[tilespmem:s0+$0x0] =	vst.add.f32.msk $0xffff, v3  }
0x7a: {  	[hbm4b:s6+s2] =	stream.linear.scatter [tilespmem:s13], [sflag:$0x5], $0x4000, $0x38;
	[tilespmem:$0x1C000] =	vst v63  }
0x7b: {  	s24 =	simm.s32 $0x0;
	s25 =	simm.s32 $0x0  }
0x7c: {  	[tilespmem:s17], [sflag:$0x4] =	stream.linear.gather [hbm4b:s7+s2], $0x4000, $0x38;
	[tilespmem:$0x1C000] =	vst v63  }
0x7d: {  	s0 =	sand.u32 $0x1C00, s2;
	s2 =	sand.u32 $0x2000, s24;
	_ =	swait.ge [sflag:s18], $0x4000  }
0x7e: {  	s24 =	sand.u32 $0x380, s25;
	s0 =	sor.u32 s0, s2;
	[sflag:s18] =	ssyncset.done $0x0  }
0x7f: {  	s24 =	sor.u32 s24, s0;
	[sflag:s18] =	ssyncadd.s32 $0xFFFFC000  }
0x80: {  	v0 =	vld [tilespmem:s24+$0x4000];
	_ =	sdelay $0x3  }
0x81: {  	s0 =	sor.u32 $0x14000, s24  }
0x82: {  	[tilespmem:s0+$0x0] =	vst.add.f32.msk $0xffff, v0  }
0x83: {  	v0 =	vld [tilespmem:s24+$0x4010];
	_ =	sdelay $0x3  }
0x84: {  	s26 =	sor.u32 $0x14010, s24  }
0x85: {  	[tilespmem:s26+$0x0] =	vst.add.f32.msk $0xffff, v0  }
0x86: {  	s25 =	simm.s32 $0x80;
	s2 =	simm.s32 $0x400;
	v0 =	vld [tilespmem:s24+$0x4020]  }
0x87: {  	s0 =	sand.u32 $0x1C00, s2;
	s2 =	sand.u32 $0x2000, s25;
	s26 =	simm.s32 $0x10  }
0x88: {  	s0 =	sor.u32 s0, s2;
	s25 =	sand.u32 $0x380, s26  }
0x89: {  	s25 =	sor.u32 s25, s0  }
0x8a: {  	s2 =	sor.u32 $0x14020, s24;
	v1 =	vld [tilespmem:s25+$0x4000]  }
0x8b: {  	[tilespmem:s2+$0x0] =	vst.add.f32.msk $0xffff, v0  }
0x8c: {  	v0 =	vld [tilespmem:s24+$0x4030];
	_ =	sdelay $0x1  }
0x8d: {  	s26 =	sor.u32 $0x14000, s25  }
0x8e: {  	[tilespmem:s26+$0x0] =	vst.add.f32.msk $0xffff, v1  }
0x8f: {  	s2 =	sor.u32 $0x14030, s24;
	v1 =	vld [tilespmem:s25+$0x4010]  }
0x90: {  	[tilespmem:s2+$0x0] =	vst.add.f32.msk $0xffff, v0  }
0x91: {  	v0 =	vld [tilespmem:s24+$0x4040];
	_ =	sdelay $0x1  }
0x92: {  	s26 =	sor.u32 $0x14010, s25  }
0x93: {  	[tilespmem:s26+$0x0] =	vst.add.f32.msk $0xffff, v1  }
0x94: {  	s0 =	simm.s32 $0x800;
	s2 =	simm.s32 $0x100;
	s26 =	sor.u32 $0x14040, s24;
	v1 =	vld [tilespmem:s25+$0x4020]  }
0x95: {  	s28 =	simm.s32 $0x20;
	s0 =	sand.u32 $0x1C00, s0;
	s2 =	sand.u32 $0x2000, s2;
	[tilespmem:s26+$0x0] =	vst.add.f32.msk $0xffff, v0  }
0x96: {  	s0 =	sor.u32 s0, s2;
	s26 =	sand.u32 $0x380, s28;
	v0 =	vld [tilespmem:s24+$0x4050]  }
0x97: {  	s26 =	sor.u32 s26, s0  }
0x98: {  	s2 =	sor.u32 $0x14020, s25;
	v2 =	vld [tilespmem:s26+$0x4000]  }
0x99: {  	[tilespmem:s2+$0x0] =	vst.add.f32.msk $0xffff, v1  }
0x9a: {  	s2 =	sor.u32 $0x14050, s24;
	v1 =	vld [tilespmem:s25+$0x4030]  }
0x9b: {  	[tilespmem:s2+$0x0] =	vst.add.f32.msk $0xffff, v0  }
0x9c: {  	s2 =	sor.u32 $0x14000, s26;
	v0 =	vld [tilespmem:s24+$0x4060]  }
0x9d: {  	[tilespmem:s2+$0x0] =	vst.add.f32.msk $0xffff, v2  }
0x9e: {  	s2 =	sor.u32 $0x14030, s25;
	v2 =	vld [tilespmem:s26+$0x4010]  }
0x9f: {  	[tilespmem:s2+$0x0] =	vst.add.f32.msk $0xffff, v1  }
0xa0: {  	s2 =	sor.u32 $0x14060, s24;
	v1 =	vld [tilespmem:s25+$0x4040]  }
0xa1: {  	[tilespmem:s2+$0x0] =	vst.add.f32.msk $0xffff, v0  }
0xa2: {  	s2 =	sor.u32 $0x14010, s26;
	v0 =	vld [tilespmem:s24+$0x4070]  }
0xa3: {  	s29 =	simm.s32 $0x4;
	s31 =	simm.s32 $0x30;
	[tilespmem:s2+$0x0] =	vst.add.f32.msk $0xffff, v2  }
0xa4: {  	s30 =	sor.u32 $0x14040, s25;
	s28 =	simm.s32 $0xC00;
	s0 =	simm.s32 $0x180;
	v2 =	vld [tilespmem:s26+$0x4020]  }
.LBB2_4:
0xa5: {  	p0 =	sne.s32 s29, $0x7F;
	s2 =	sand.u32 $0x1C00, s28;
	s0 =	sand.u32 $0x2000, s0;
	[tilespmem:s30+$0x0] =	vst.add.f32.msk $0xffff, v1  }
0xa6: {  	s30 =	sand.u32 $0x380, s31;
	s0 =	sor.u32 s2, s0;
	v1 =	vld [tilespmem:s25+$0x4050];
	s2 =	sor.u32 $0x14070, s24  }
0xa7: {  	s24 =	smov.u32 s25;
	s25 =	smov.u32 s26;
	[tilespmem:s2+$0x0] =	vst.add.f32.msk $0xffff, v0;
	s26 =	sor.u32 s30, s0  }
0xa8: {  	s0 =	sor.u32 $0x14020, s25;
	v0 =	vld [tilespmem:s26+$0x4000]  }
0xa9: {  	[tilespmem:s0+$0x0] =	vst.add.f32.msk $0xffff, v2  }
0xaa: {  	s0 =	sor.u32 $0x14050, s24;
	v2 =	vld [tilespmem:s25+$0x4030]  }
0xab: {  	[tilespmem:s0+$0x0] =	vst.add.f32.msk $0xffff, v1  }
0xac: {  	s0 =	sor.u32 $0x14000, s26;
	v3 =	vld [tilespmem:s24+$0x4060]  }
0xad: {  	[tilespmem:s0+$0x0] =	vst.add.f32.msk $0xffff, v0  }
0xae: {  	s0 =	sor.u32 $0x14030, s25;
	v4 =	vld [tilespmem:s26+$0x4010]  }
0xaf: {  	[tilespmem:s0+$0x0] =	vst.add.f32.msk $0xffff, v2  }
.Ltmp1:
0xb0: {  	s0 =	sor.u32 $0x14060, s24;
	v1 =	vld [tilespmem:s25+$0x4040];
	(pc) =	sbr.rel @p0 .LBB2_4-.Ltmp1, $4  }
0xb1: {  	[tilespmem:s0+$0x0] =	vst.add.f32.msk $0xffff, v3  }
0xb2: {  	s0 =	sor.u32 $0x14010, s26;
	v0 =	vld [tilespmem:s24+$0x4070]  }
0xb3: {  	s31 =	sshll.u32 s29, $0x4;
	s28 =	sadd.s32 $0x400, s28;
	[tilespmem:s0+$0x0] =	vst.add.f32.msk $0xffff, v4  }
0xb4: {  	s30 =	sor.u32 $0x14040, s25;
	s0 =	sshll.u32 s29, $0x7;
	s29 =	sadd.s32 $0x1, s29;
	v2 =	vld [tilespmem:s26+$0x4020]  }
0xb5: {  	s2 =	sand.u32 $0x1C00, s28;
	s0 =	sand.u32 $0x2000, s0  }
0xb6: {  	s28 =	sand.u32 $0x380, s31;
	s0 =	sor.u32 s2, s0  }
0xb7: {  	s0 =	sor.u32 s28, s0  }
0xb8: {  	v3 =	vld [tilespmem:s0+$0x4000];
	_ =	sdelay $0x3  }
0xb9: {  	s2 =	sor.u32 $0x14000, s0  }
0xba: {  	[tilespmem:s2+$0x0] =	vst.add.f32.msk $0xffff, v3  }
0xbb: {  	v3 =	vld [tilespmem:s0+$0x4010];
	_ =	sdelay $0x3  }
0xbc: {  	s2 =	sor.u32 $0x14010, s0  }
0xbd: {  	[tilespmem:s2+$0x0] =	vst.add.f32.msk $0xffff, v3  }
0xbe: {  	v3 =	vld [tilespmem:s0+$0x4020];
	_ =	sdelay $0x1  }
0xbf: {  	s2 =	sor.u32 $0x14020, s26  }
0xc0: {  	[tilespmem:s2+$0x0] =	vst.add.f32.msk $0xffff, v2  }
0xc1: {  	s2 =	sor.u32 $0x14020, s0;
	v2 =	vld [tilespmem:s26+$0x4030]  }
0xc2: {  	[tilespmem:s2+$0x0] =	vst.add.f32.msk $0xffff, v3  }
0xc3: {  	v3 =	vld [tilespmem:s0+$0x4030];
	_ =	sdelay $0x1  }
0xc4: {  	s2 =	sor.u32 $0x14030, s26  }
0xc5: {  	[tilespmem:s2+$0x0] =	vst.add.f32.msk $0xffff, v2  }
0xc6: {  	s2 =	sor.u32 $0x14030, s0;
	v2 =	vld [tilespmem:s26+$0x4040]  }
0xc7: {  	[tilespmem:s2+$0x0] =	vst.add.f32.msk $0xffff, v3  }
0xc8: {  	v3 =	vld [tilespmem:s0+$0x4040]  }
0xc9: {  	[tilespmem:s30+$0x0] =	vst.add.f32.msk $0xffff, v1  }
0xca: {  	v1 =	vld [tilespmem:s25+$0x4050];
	s2 =	sor.u32 $0x14040, s26  }
0xcb: {  	[tilespmem:s2+$0x0] =	vst.add.f32.msk $0xffff, v2  }
0xcc: {  	s2 =	sor.u32 $0x14040, s0;
	v2 =	vld [tilespmem:s26+$0x4050]  }
0xcd: {  	[tilespmem:s2+$0x0] =	vst.add.f32.msk $0xffff, v3  }
0xce: {  	s2 =	sor.u32 $0x14050, s25;
	v3 =	vld [tilespmem:s0+$0x4050]  }
0xcf: {  	[tilespmem:s2+$0x0] =	vst.add.f32.msk $0xffff, v1  }
0xd0: {  	s2 =	sor.u32 $0x14050, s26;
	v1 =	vld [tilespmem:s25+$0x4060]  }
0xd1: {  	[tilespmem:s2+$0x0] =	vst.add.f32.msk $0xffff, v2  }
0xd2: {  	s2 =	sor.u32 $0x14050, s0;
	v2 =	vld [tilespmem:s26+$0x4060]  }
0xd3: {  	[tilespmem:s2+$0x0] =	vst.add.f32.msk $0xffff, v3  }
0xd4: {  	s2 =	sor.u32 $0x14060, s25;
	v3 =	vld [tilespmem:s0+$0x4060]  }
0xd5: {  	[tilespmem:s2+$0x0] =	vst.add.f32.msk $0xffff, v1  }
0xd6: {  	s2 =	sor.u32 $0x14060, s26;
	v1 =	vld [tilespmem:s25+$0x4070]  }
0xd7: {  	[tilespmem:s2+$0x0] =	vst.add.f32.msk $0xffff, v2  }
0xd8: {  	s2 =	sor.u32 $0x14060, s0;
	v2 =	vld [tilespmem:s26+$0x4070]  }
0xd9: {  	[tilespmem:s2+$0x0] =	vst.add.f32.msk $0xffff, v3  }
0xda: {  	v3 =	vld [tilespmem:s0+$0x4070]  }
0xdb: {  	s24 =	sor.u32 $0x14070, s24  }
0xdc: {  	[tilespmem:s24+$0x0] =	vst.add.f32.msk $0xffff, v0;
	s25 =	sor.u32 $0x14070, s25  }
0xdd: {  	s26 =	sor.u32 $0x14070, s26;
	[tilespmem:s25+$0x0] =	vst.add.f32.msk $0xffff, v1  }
0xde: {  	s0 =	sor.u32 $0x14070, s0;
	[tilespmem:s26+$0x0] =	vst.add.f32.msk $0xffff, v2  }
0xdf: {  	s2 =	simm.s32 $0x0;
	[tilespmem:s0+$0x0] =	vst.add.f32.msk $0xffff, v3  }
0xe0: {  	[hbm4b:s8+s2] =	stream.linear.scatter [tilespmem:s15], [sflag:$0x6], $0x4000, $0x38;
	[tilespmem:$0x1C000] =	vst v63  }
0xe1: {  	_ =	swait.ge [sflag:s19], $0x4000  }
0xe2: {  	[sflag:s19] =	ssyncset.done $0x0  }
0xe3: {  	s24 =	simm.s32 $0x0;
	s25 =	simm.s32 $0x0;
	[sflag:s19] =	ssyncadd.s32 $0xFFFFC000  }
0xe4: {  	[tilespmem:s13], [sflag:$0x2] =	stream.linear.gather [hbm4b:s9+s2], $0x4000, $0x38;
	[tilespmem:$0x1C000] =	vst v63  }
0xe5: {  	s0 =	sand.u32 $0x1C00, s2;
	s2 =	sand.u32 $0x2000, s24;
	_ =	swait.ge [sflag:s20], $0x4000  }
0xe6: {  	s24 =	sand.u32 $0x380, s25;
	s0 =	sor.u32 s0, s2;
	[sflag:s20] =	ssyncset.done $0x0  }
0xe7: {  	s24 =	sor.u32 s24, s0;
	[sflag:s20] =	ssyncadd.s32 $0xFFFFC000  }
0xe8: {  	v0 =	vld [tilespmem:s24+$0x8000];
	_ =	sdelay $0x3  }
0xe9: {  	s0 =	sor.u32 $0x18000, s24  }
0xea: {  	[tilespmem:s0+$0x0] =	vst.add.f32.msk $0xffff, v0  }
0xeb: {  	v0 =	vld [tilespmem:s24+$0x8010];
	_ =	sdelay $0x3  }
0xec: {  	s26 =	sor.u32 $0x18010, s24  }
0xed: {  	[tilespmem:s26+$0x0] =	vst.add.f32.msk $0xffff, v0  }
0xee: {  	s25 =	simm.s32 $0x80;
	s2 =	simm.s32 $0x400;
	v0 =	vld [tilespmem:s24+$0x8020]  }
0xef: {  	s0 =	sand.u32 $0x1C00, s2;
	s2 =	sand.u32 $0x2000, s25;
	s26 =	simm.s32 $0x10  }
0xf0: {  	s0 =	sor.u32 s0, s2;
	s25 =	sand.u32 $0x380, s26  }
0xf1: {  	s25 =	sor.u32 s25, s0  }
0xf2: {  	s2 =	sor.u32 $0x18020, s24;
	v1 =	vld [tilespmem:s25+$0x8000]  }
0xf3: {  	[tilespmem:s2+$0x0] =	vst.add.f32.msk $0xffff, v0  }
0xf4: {  	v0 =	vld [tilespmem:s24+$0x8030];
	_ =	sdelay $0x1  }
0xf5: {  	s26 =	sor.u32 $0x18000, s25  }
0xf6: {  	[tilespmem:s26+$0x0] =	vst.add.f32.msk $0xffff, v1  }
0xf7: {  	s2 =	sor.u32 $0x18030, s24;
	v1 =	vld [tilespmem:s25+$0x8010]  }
0xf8: {  	[tilespmem:s2+$0x0] =	vst.add.f32.msk $0xffff, v0  }
0xf9: {  	v0 =	vld [tilespmem:s24+$0x8040];
	_ =	sdelay $0x1  }
0xfa: {  	s26 =	sor.u32 $0x18010, s25  }
0xfb: {  	[tilespmem:s26+$0x0] =	vst.add.f32.msk $0xffff, v1  }
0xfc: {  	s0 =	simm.s32 $0x800;
	s2 =	simm.s32 $0x100;
	s26 =	sor.u32 $0x18040, s24;
	v1 =	vld [tilespmem:s25+$0x8020]  }
0xfd: {  	s28 =	simm.s32 $0x20;
	s0 =	sand.u32 $0x1C00, s0;
	s2 =	sand.u32 $0x2000, s2;
	[tilespmem:s26+$0x0] =	vst.add.f32.msk $0xffff, v0  }
0xfe: {  	s0 =	sor.u32 s0, s2;
	s26 =	sand.u32 $0x380, s28;
	v0 =	vld [tilespmem:s24+$0x8050]  }
0xff: {  	s26 =	sor.u32 s26, s0  }
0x100: {  	s2 =	sor.u32 $0x18020, s25;
	v2 =	vld [tilespmem:s26+$0x8000]  }
0x101: {  	[tilespmem:s2+$0x0] =	vst.add.f32.msk $0xffff, v1  }
0x102: {  	s2 =	sor.u32 $0x18050, s24;
	v1 =	vld [tilespmem:s25+$0x8030]  }
0x103: {  	[tilespmem:s2+$0x0] =	vst.add.f32.msk $0xffff, v0  }
0x104: {  	s2 =	sor.u32 $0x18000, s26;
	v0 =	vld [tilespmem:s24+$0x8060]  }
0x105: {  	[tilespmem:s2+$0x0] =	vst.add.f32.msk $0xffff, v2  }
0x106: {  	s2 =	sor.u32 $0x18030, s25;
	v2 =	vld [tilespmem:s26+$0x8010]  }
0x107: {  	[tilespmem:s2+$0x0] =	vst.add.f32.msk $0xffff, v1  }
0x108: {  	s2 =	sor.u32 $0x18060, s24;
	v1 =	vld [tilespmem:s25+$0x8040]  }
0x109: {  	[tilespmem:s2+$0x0] =	vst.add.f32.msk $0xffff, v0  }
0x10a: {  	s2 =	sor.u32 $0x18010, s26;
	v0 =	vld [tilespmem:s24+$0x8070]  }
0x10b: {  	s31 =	simm.s32 $0x30;
	s29 =	simm.s32 $0x4;
	[tilespmem:s2+$0x0] =	vst.add.f32.msk $0xffff, v2  }
0x10c: {  	s30 =	sor.u32 $0x18040, s25;
	s28 =	simm.s32 $0xC00;
	s0 =	simm.s32 $0x180;
	v2 =	vld [tilespmem:s26+$0x8020]  }
.LBB2_6:
0x10d: {  	p0 =	sne.s32 s29, $0x7F;
	s2 =	sand.u32 $0x1C00, s28;
	s0 =	sand.u32 $0x2000, s0;
	[tilespmem:s30+$0x0] =	vst.add.f32.msk $0xffff, v1  }
0x10e: {  	s30 =	sand.u32 $0x380, s31;
	s0 =	sor.u32 s2, s0;
	v1 =	vld [tilespmem:s25+$0x8050];
	s2 =	sor.u32 $0x18070, s24  }
0x10f: {  	s24 =	smov.u32 s25;
	s25 =	smov.u32 s26;
	[tilespmem:s2+$0x0] =	vst.add.f32.msk $0xffff, v0;
	s26 =	sor.u32 s30, s0  }
0x110: {  	s0 =	sor.u32 $0x18020, s25;
	v0 =	vld [tilespmem:s26+$0x8000]  }
0x111: {  	[tilespmem:s0+$0x0] =	vst.add.f32.msk $0xffff, v2  }
0x112: {  	s0 =	sor.u32 $0x18050, s24;
	v2 =	vld [tilespmem:s25+$0x8030]  }
0x113: {  	[tilespmem:s0+$0x0] =	vst.add.f32.msk $0xffff, v1  }
0x114: {  	s0 =	sor.u32 $0x18000, s26;
	v3 =	vld [tilespmem:s24+$0x8060]  }
0x115: {  	[tilespmem:s0+$0x0] =	vst.add.f32.msk $0xffff, v0  }
0x116: {  	s0 =	sor.u32 $0x18030, s25;
	v4 =	vld [tilespmem:s26+$0x8010]  }
0x117: {  	[tilespmem:s0+$0x0] =	vst.add.f32.msk $0xffff, v2  }
.Ltmp2:
0x118: {  	s0 =	sor.u32 $0x18060, s24;
	v1 =	vld [tilespmem:s25+$0x8040];
	(pc) =	sbr.rel @p0 .LBB2_6-.Ltmp2, $4  }
0x119: {  	[tilespmem:s0+$0x0] =	vst.add.f32.msk $0xffff, v3  }
0x11a: {  	s0 =	sor.u32 $0x18010, s26;
	v0 =	vld [tilespmem:s24+$0x8070]  }
0x11b: {  	s31 =	sshll.u32 s29, $0x4;
	s28 =	sadd.s32 $0x400, s28;
	[tilespmem:s0+$0x0] =	vst.add.f32.msk $0xffff, v4  }
0x11c: {  	s30 =	sor.u32 $0x18040, s25;
	s0 =	sshll.u32 s29, $0x7;
	s29 =	sadd.s32 $0x1, s29;
	v2 =	vld [tilespmem:s26+$0x8020]  }
0x11d: {  	s2 =	sand.u32 $0x1C00, s28;
	s0 =	sand.u32 $0x2000, s0  }
0x11e: {  	s28 =	sand.u32 $0x380, s31;
	s0 =	sor.u32 s2, s0  }
0x11f: {  	s0 =	sor.u32 s28, s0  }
0x120: {  	v3 =	vld [tilespmem:s0+$0x8000];
	_ =	sdelay $0x3  }
0x121: {  	s2 =	sor.u32 $0x18000, s0  }
0x122: {  	[tilespmem:s2+$0x0] =	vst.add.f32.msk $0xffff, v3  }
0x123: {  	v3 =	vld [tilespmem:s0+$0x8010];
	_ =	sdelay $0x3  }
0x124: {  	s2 =	sor.u32 $0x18010, s0  }
0x125: {  	[tilespmem:s2+$0x0] =	vst.add.f32.msk $0xffff, v3  }
0x126: {  	v3 =	vld [tilespmem:s0+$0x8020];
	_ =	sdelay $0x1  }
0x127: {  	s2 =	sor.u32 $0x18020, s26  }
0x128: {  	[tilespmem:s2+$0x0] =	vst.add.f32.msk $0xffff, v2  }
0x129: {  	s2 =	sor.u32 $0x18020, s0;
	v2 =	vld [tilespmem:s26+$0x8030]  }
0x12a: {  	[tilespmem:s2+$0x0] =	vst.add.f32.msk $0xffff, v3  }
0x12b: {  	v3 =	vld [tilespmem:s0+$0x8030];
	_ =	sdelay $0x1  }
0x12c: {  	s2 =	sor.u32 $0x18030, s26  }
0x12d: {  	[tilespmem:s2+$0x0] =	vst.add.f32.msk $0xffff, v2  }
0x12e: {  	s2 =	sor.u32 $0x18030, s0;
	v2 =	vld [tilespmem:s26+$0x8040]  }
0x12f: {  	[tilespmem:s2+$0x0] =	vst.add.f32.msk $0xffff, v3  }
0x130: {  	v3 =	vld [tilespmem:s0+$0x8040]  }
0x131: {  	[tilespmem:s30+$0x0] =	vst.add.f32.msk $0xffff, v1  }
0x132: {  	v1 =	vld [tilespmem:s25+$0x8050];
	s2 =	sor.u32 $0x18040, s26  }
0x133: {  	[tilespmem:s2+$0x0] =	vst.add.f32.msk $0xffff, v2  }
0x134: {  	s2 =	sor.u32 $0x18040, s0;
	v2 =	vld [tilespmem:s26+$0x8050]  }
0x135: {  	[tilespmem:s2+$0x0] =	vst.add.f32.msk $0xffff, v3  }
0x136: {  	s2 =	sor.u32 $0x18050, s25;
	v3 =	vld [tilespmem:s0+$0x8050]  }
0x137: {  	[tilespmem:s2+$0x0] =	vst.add.f32.msk $0xffff, v1  }
0x138: {  	s2 =	sor.u32 $0x18050, s26;
	v1 =	vld [tilespmem:s25+$0x8060]  }
0x139: {  	[tilespmem:s2+$0x0] =	vst.add.f32.msk $0xffff, v2  }
0x13a: {  	s2 =	sor.u32 $0x18050, s0;
	v2 =	vld [tilespmem:s26+$0x8060]  }
0x13b: {  	[tilespmem:s2+$0x0] =	vst.add.f32.msk $0xffff, v3  }
0x13c: {  	s2 =	sor.u32 $0x18060, s25;
	v3 =	vld [tilespmem:s0+$0x8060]  }
0x13d: {  	[tilespmem:s2+$0x0] =	vst.add.f32.msk $0xffff, v1  }
0x13e: {  	s2 =	sor.u32 $0x18060, s26;
	v1 =	vld [tilespmem:s25+$0x8070]  }
0x13f: {  	[tilespmem:s2+$0x0] =	vst.add.f32.msk $0xffff, v2  }
0x140: {  	s2 =	sor.u32 $0x18060, s0;
	v2 =	vld [tilespmem:s26+$0x8070]  }
0x141: {  	[tilespmem:s2+$0x0] =	vst.add.f32.msk $0xffff, v3  }
0x142: {  	v3 =	vld [tilespmem:s0+$0x8070]  }
0x143: {  	s24 =	sor.u32 $0x18070, s24  }
0x144: {  	[tilespmem:s24+$0x0] =	vst.add.f32.msk $0xffff, v0;
	s25 =	sor.u32 $0x18070, s25  }
0x145: {  	s26 =	sor.u32 $0x18070, s26;
	[tilespmem:s25+$0x0] =	vst.add.f32.msk $0xffff, v1  }
0x146: {  	s0 =	sor.u32 $0x18070, s0;
	[tilespmem:s26+$0x0] =	vst.add.f32.msk $0xffff, v2  }
0x147: {  	s2 =	simm.s32 $0x0;
	[tilespmem:s0+$0x0] =	vst.add.f32.msk $0xffff, v3  }
0x148: {  	[hbm4b:s10+s2] =	stream.linear.scatter [tilespmem:s17], [sflag:$0x7], $0x4000, $0x38;
	[tilespmem:$0x1C000] =	vst v63  }
0x149: {  	_ =	swait.ge [sflag:s21], $0x4000  }
0x14a: {  	[sflag:s21] =	ssyncset.done $0x0  }
0x14b: {  	s24 =	simm.s32 $0x0;
	s25 =	simm.s32 $0x0;
	[sflag:s21] =	ssyncadd.s32 $0xFFFFC000  }
0x14c: {  	s0 =	sand.u32 $0x1C00, s2;
	s2 =	sand.u32 $0x2000, s24;
	_ =	swait.ge [sflag:s16], $0x4000  }
0x14d: {  	s24 =	sand.u32 $0x380, s25;
	s0 =	sor.u32 s0, s2;
	[sflag:s16] =	ssyncset.done $0x0  }
0x14e: {  	s24 =	sor.u32 s24, s0;
	[sflag:s16] =	ssyncadd.s32 $0xFFFFC000  }
0x14f: {  	v0 =	vld [tilespmem:s24+$0xC000];
	_ =	sdelay $0x3  }
0x150: {  	s0 =	sor.u32 $0x10000, s24  }
0x151: {  	[tilespmem:s0+$0x0] =	vst.add.f32.msk $0xffff, v0  }
0x152: {  	v0 =	vld [tilespmem:s24+$0xC010];
	_ =	sdelay $0x3  }
0x153: {  	s26 =	sor.u32 $0x10010, s24  }
0x154: {  	[tilespmem:s26+$0x0] =	vst.add.f32.msk $0xffff, v0  }
0x155: {  	s25 =	simm.s32 $0x80;
	s2 =	simm.s32 $0x400;
	v0 =	vld [tilespmem:s24+$0xC020]  }
0x156: {  	s0 =	sand.u32 $0x1C00, s2;
	s2 =	sand.u32 $0x2000, s25;
	s26 =	simm.s32 $0x10  }
0x157: {  	s0 =	sor.u32 s0, s2;
	s25 =	sand.u32 $0x380, s26  }
0x158: {  	s25 =	sor.u32 s25, s0  }
0x159: {  	s2 =	sor.u32 $0x10020, s24;
	v1 =	vld [tilespmem:s25+$0xC000]  }
0x15a: {  	[tilespmem:s2+$0x0] =	vst.add.f32.msk $0xffff, v0  }
0x15b: {  	v0 =	vld [tilespmem:s24+$0xC030];
	_ =	sdelay $0x1  }
0x15c: {  	s26 =	sor.u32 $0x10000, s25  }
0x15d: {  	[tilespmem:s26+$0x0] =	vst.add.f32.msk $0xffff, v1  }
0x15e: {  	s2 =	sor.u32 $0x10030, s24;
	v1 =	vld [tilespmem:s25+$0xC010]  }
0x15f: {  	[tilespmem:s2+$0x0] =	vst.add.f32.msk $0xffff, v0  }
0x160: {  	v0 =	vld [tilespmem:s24+$0xC040];
	_ =	sdelay $0x1  }
0x161: {  	s26 =	sor.u32 $0x10010, s25  }
0x162: {  	[tilespmem:s26+$0x0] =	vst.add.f32.msk $0xffff, v1  }
0x163: {  	s0 =	simm.s32 $0x800;
	s2 =	simm.s32 $0x100;
	s26 =	sor.u32 $0x10040, s24;
	v1 =	vld [tilespmem:s25+$0xC020]  }
0x164: {  	s28 =	simm.s32 $0x20;
	s0 =	sand.u32 $0x1C00, s0;
	s2 =	sand.u32 $0x2000, s2;
	[tilespmem:s26+$0x0] =	vst.add.f32.msk $0xffff, v0  }
0x165: {  	s0 =	sor.u32 s0, s2;
	s26 =	sand.u32 $0x380, s28;
	v0 =	vld [tilespmem:s24+$0xC050]  }
0x166: {  	s26 =	sor.u32 s26, s0  }
0x167: {  	s2 =	sor.u32 $0x10020, s25;
	v2 =	vld [tilespmem:s26+$0xC000]  }
0x168: {  	[tilespmem:s2+$0x0] =	vst.add.f32.msk $0xffff, v1  }
0x169: {  	s2 =	sor.u32 $0x10050, s24;
	v1 =	vld [tilespmem:s25+$0xC030]  }
0x16a: {  	[tilespmem:s2+$0x0] =	vst.add.f32.msk $0xffff, v0  }
0x16b: {  	s2 =	sor.u32 $0x10000, s26;
	v0 =	vld [tilespmem:s24+$0xC060]  }
0x16c: {  	[tilespmem:s2+$0x0] =	vst.add.f32.msk $0xffff, v2  }
0x16d: {  	s2 =	sor.u32 $0x10030, s25;
	v2 =	vld [tilespmem:s26+$0xC010]  }
0x16e: {  	[tilespmem:s2+$0x0] =	vst.add.f32.msk $0xffff, v1  }
0x16f: {  	s2 =	sor.u32 $0x10060, s24;
	v1 =	vld [tilespmem:s25+$0xC040]  }
0x170: {  	[tilespmem:s2+$0x0] =	vst.add.f32.msk $0xffff, v0  }
0x171: {  	s2 =	sor.u32 $0x10010, s26;
	v0 =	vld [tilespmem:s24+$0xC070]  }
0x172: {  	s31 =	simm.s32 $0x30;
	s29 =	simm.s32 $0x4;
	[tilespmem:s2+$0x0] =	vst.add.f32.msk $0xffff, v2  }
0x173: {  	s30 =	sor.u32 $0x10040, s25;
	s28 =	simm.s32 $0xC00;
	s0 =	simm.s32 $0x180;
	v2 =	vld [tilespmem:s26+$0xC020]  }
.LBB2_8:
0x174: {  	p0 =	sne.s32 s29, $0x7F;
	s2 =	sand.u32 $0x1C00, s28;
	s0 =	sand.u32 $0x2000, s0;
	[tilespmem:s30+$0x0] =	vst.add.f32.msk $0xffff, v1  }
0x175: {  	s30 =	sand.u32 $0x380, s31;
	s0 =	sor.u32 s2, s0;
	v1 =	vld [tilespmem:s25+$0xC050];
	s2 =	sor.u32 $0x10070, s24  }
0x176: {  	s24 =	smov.u32 s25;
	s25 =	smov.u32 s26;
	[tilespmem:s2+$0x0] =	vst.add.f32.msk $0xffff, v0;
	s26 =	sor.u32 s30, s0  }
0x177: {  	s0 =	sor.u32 $0x10020, s25;
	v0 =	vld [tilespmem:s26+$0xC000]  }
0x178: {  	[tilespmem:s0+$0x0] =	vst.add.f32.msk $0xffff, v2  }
0x179: {  	s0 =	sor.u32 $0x10050, s24;
	v2 =	vld [tilespmem:s25+$0xC030]  }
0x17a: {  	[tilespmem:s0+$0x0] =	vst.add.f32.msk $0xffff, v1  }
0x17b: {  	s0 =	sor.u32 $0x10000, s26;
	v3 =	vld [tilespmem:s24+$0xC060]  }
0x17c: {  	[tilespmem:s0+$0x0] =	vst.add.f32.msk $0xffff, v0  }
0x17d: {  	s0 =	sor.u32 $0x10030, s25;
	v4 =	vld [tilespmem:s26+$0xC010]  }
0x17e: {  	[tilespmem:s0+$0x0] =	vst.add.f32.msk $0xffff, v2  }
.Ltmp3:
0x17f: {  	s0 =	sor.u32 $0x10060, s24;
	v1 =	vld [tilespmem:s25+$0xC040];
	(pc) =	sbr.rel @p0 .LBB2_8-.Ltmp3, $4  }
0x180: {  	[tilespmem:s0+$0x0] =	vst.add.f32.msk $0xffff, v3  }
0x181: {  	s0 =	sor.u32 $0x10010, s26;
	v0 =	vld [tilespmem:s24+$0xC070]  }
0x182: {  	s31 =	sshll.u32 s29, $0x4;
	s28 =	sadd.s32 $0x400, s28;
	[tilespmem:s0+$0x0] =	vst.add.f32.msk $0xffff, v4  }
0x183: {  	s30 =	sor.u32 $0x10040, s25;
	s0 =	sshll.u32 s29, $0x7;
	s29 =	sadd.s32 $0x1, s29;
	v2 =	vld [tilespmem:s26+$0xC020]  }
0x184: {  	s2 =	sand.u32 $0x1C00, s28;
	s0 =	sand.u32 $0x2000, s0  }
0x185: {  	s31 =	sand.u32 $0x380, s31;
	s0 =	sor.u32 s2, s0  }
0x186: {  	s0 =	sor.u32 s31, s0  }
0x187: {  	v3 =	vld [tilespmem:s0+$0xC000];
	_ =	sdelay $0x3  }
0x188: {  	s29 =	sor.u32 $0x10000, s0  }
0x189: {  	[tilespmem:s29+$0x0] =	vst.add.f32.msk $0xffff, v3  }
0x18a: {  	v3 =	vld [tilespmem:s0+$0xC010];
	_ =	sdelay $0x3  }
0x18b: {  	s31 =	sor.u32 $0x10010, s0  }
0x18c: {  	[tilespmem:s31+$0x0] =	vst.add.f32.msk $0xffff, v3  }
0x18d: {  	v3 =	vld [tilespmem:s0+$0xC020]  }
0x18e: {  	s28 =	sor.u32 $0x10020, s26  }
0x18f: {  	[tilespmem:s28+$0x0] =	vst.add.f32.msk $0xffff, v2  }
0x190: {  	v2 =	vld [tilespmem:s26+$0xC030]  }
0x191: {  	s29 =	sor.u32 $0x10020, s0  }
0x192: {  	[tilespmem:s29+$0x0] =	vst.add.f32.msk $0xffff, v3  }
0x193: {  	v3 =	vld [tilespmem:s0+$0xC030]  }
0x194: {  	[tilespmem:s30+$0x0] =	vst.add.f32.msk $0xffff, v1;
	s31 =	sor.u32 $0x10030, s26  }
0x195: {  	[tilespmem:s31+$0x0] =	vst.add.f32.msk $0xffff, v2  }
0x196: {  	v2 =	vld [tilespmem:s26+$0xC040]  }
0x197: {  	v1 =	vld [tilespmem:s25+$0xC050];
	s28 =	sor.u32 $0x10030, s0  }
0x198: {  	[tilespmem:s28+$0x0] =	vst.add.f32.msk $0xffff, v3  }
0x199: {  	v3 =	vld [tilespmem:s0+$0xC040]  }
0x19a: {  	s29 =	sor.u32 $0x10040, s26  }
0x19b: {  	[tilespmem:s29+$0x0] =	vst.add.f32.msk $0xffff, v2  }
0x19c: {  	s31 =	sor.u32 $0x10050, s25;
	v2 =	vld [tilespmem:s26+$0xC050]  }
0x19d: {  	s30 =	sor.u32 $0x10040, s0;
	[tilespmem:s31+$0x0] =	vst.add.f32.msk $0xffff, v1  }
0x19e: {  	[tilespmem:s30+$0x0] =	vst.add.f32.msk $0xffff, v3  }
0x19f: {  	v3 =	vld [tilespmem:s0+$0xC050]  }
0x1a0: {  	v1 =	vld [tilespmem:s25+$0xC060];
	s28 =	sor.u32 $0x10050, s26  }
0x1a1: {  	[tilespmem:s28+$0x0] =	vst.add.f32.msk $0xffff, v2  }
0x1a2: {  	v2 =	vld [tilespmem:s26+$0xC060]  }
0x1a3: {  	s29 =	sor.u32 $0x10050, s0  }
0x1a4: {  	[tilespmem:s29+$0x0] =	vst.add.f32.msk $0xffff, v3  }
0x1a5: {  	s30 =	sor.u32 $0x10060, s25;
	v3 =	vld [tilespmem:s0+$0xC060]  }
0x1a6: {  	s31 =	sor.u32 $0x10060, s26;
	[tilespmem:s30+$0x0] =	vst.add.f32.msk $0xffff, v1  }
0x1a7: {  	[tilespmem:s31+$0x0] =	vst.add.f32.msk $0xffff, v2  }
0x1a8: {  	v1 =	vld [tilespmem:s25+$0xC070]  }
0x1a9: {  	s28 =	sor.u32 $0x10060, s0;
	v2 =	vld [tilespmem:s26+$0xC070]  }
0x1aa: {  	[tilespmem:s28+$0x0] =	vst.add.f32.msk $0xffff, v3  }
0x1ab: {  	v3 =	vld [tilespmem:s0+$0xC070]  }
0x1ac: {  	s29 =	sor.u32 $0x10070, s24  }
0x1ad: {  	s30 =	sor.u32 $0x10070, s25;
	[tilespmem:s29+$0x0] =	vst.add.f32.msk $0xffff, v0  }
0x1ae: {  	s31 =	sor.u32 $0x10070, s26;
	[tilespmem:s30+$0x0] =	vst.add.f32.msk $0xffff, v1  }
0x1af: {  	[tilespmem:s31+$0x0] =	vst.add.f32.msk $0xffff, v2;
	s0 =	sor.u32 $0x10070, s0  }
0x1b0: {  	s23 =	sadd.s32 $0x1, s23;
	[tilespmem:s0+$0x0] =	vst.add.f32.msk $0xffff, v3  }
0x1b1: {  	[hbm4b:s11+s1] =	stream.linear.scatter [tilespmem:s13], [sflag:$0x5], $0x4000, $0x38;
	[tilespmem:$0x1C000] =	vst v63  }
0x1b2: {  	p0 =	sne.s32 s23, s12;
	_ =	swait.ge [sflag:s22], $0x4000  }
.Ltmp4:
0x1b3: {  	[sflag:s22] =	ssyncset.done $0x0;
	(pc) =	sbr.rel @p0 .LBB2_1-.Ltmp4, $4  }
0x1b4: {  	[sflag:s22] =	ssyncadd.s32 $0xFFFFC000  }
0x1b5: {  	_ =	swait.ge [sflag:s19], $0x4000  }
0x1b6: {  	[sflag:s19] =	ssyncset.done $0x0  }
0x1b7: {  	[sflag:s19] =	ssyncadd.s32 $0xFFFFC000  }
0x1b8: {  	_ =	sfence.sel $0x180000  }
0x1b9: {  	[bflag:$0x0] =	sbarrier.arrive $0xFFFF  }
0x1ba: {  	_ =	strace $0x90000047  }
0x1bb: {  	s0 =	stileid.u32;
	[bflag:$0x2] =	sbarrier.arrive $0xFFFF  }
0x1bc: {  	p0 =	sne.s32 s0, $0x0;
	s0 =	rddreg [dreg:$0x3]  }
0x1bd: {  	s0 =	sadd.s32 @!p0 $0x100000, s0  }
0x1be: {  	[sflag:s0] =	ssyncadd.tile.s32 @!p0 $0x1;
	_ =	shalt  }
.Lfunc_end2:
_tile_overlayer_lowered:
.L_overlay_start_2:
0x1bf: {  	(tag) =	ssettag $0x2  }
0x1c0: {  	s0 =	rddreg [dreg:$0x0];
	s2 =	stileid.u32  }
0x1c1: {  	s1 =	rddreg [dreg:$0x1];
	p0 =	sne.s32 s2, $0x0  }
0x1c2: {  	s3 =	rddreg [dreg:$0x2];
	[bflag:$0x3] =	sbarrier.arrive $0xFFFF;
	s2 =	simm.s32 @!p0 $0x1C08  }
0x1c3: {  	[timem:s3], [sflag:s2] =	dma.local @!p0 [hbm:s0], s1  }
0x1c4: {  	s0 =	simm.s32 @!p0 $0x8  }
0x1c5: {  	_ =	swait.ge @!p0 [sflag:s0], s1  }
0x1c6: {  	s1 =	ssub.s32 @!p0 $0x0, s1;
	[sflag:s0] =	ssyncset.done @!p0 $0x0  }
0x1c7: {  	[sflag:s0] =	ssyncadd.s32 @!p0 s1  }
0x1c8: {  	[bflag:$0x3] =	sbarrier.arrive $0xFFFF  }
0x1c9: {  	_ =	shalt  }

</sc_bundles>
